<compile_context>
chip_gen: v7x
topology: tpu7x:2x2x1
jax: 0.10.2.dev20260603
libtpu: 0.0.44.dev20260713+nightly
codegen_flags: <defaults>
</compile_context>

<pallas_src>
import functools

import jax
import jax.numpy as jnp
from jax import lax
from jax.experimental import pallas as pl
from jax.experimental.pallas import tpu as pltpu
from jax.experimental.pallas import tpu_sc as plsc

VOCAB = 1000000
EMBED_DIM = 32
BATCH = 16384
N_FIELDS = 26

_INFO = plsc.get_sparse_core_info()
_NC, _NS = _INFO.num_cores, _INFO.num_subcores
_NW = _NC * _NS

_B = BATCH * N_FIELDS
_BB = 256
_BLK_PER_W = BATCH // _BB // _NW
_IDX_PER_W = _BLK_PER_W * _BB * N_FIELDS
_UNITS = _BLK_PER_W * N_FIELDS


def _make_gather():
  mesh = plsc.VectorSubcoreMesh(core_axis_name="c", subcore_axis_name="s")

  @functools.partial(
      pl.kernel,
      mesh=mesh,
      out_type=jax.ShapeDtypeStruct((N_FIELDS, EMBED_DIM, BATCH), jnp.float32),
      scratch_types=[
          pltpu.VMEM((_IDX_PER_W,), jnp.int32),
          [pltpu.VMEM((_BB,), jnp.int32)] * 2,
          [pltpu.VMEM((_BB, EMBED_DIM), jnp.float32)] * 2,
          [pltpu.VMEM((EMBED_DIM, _BB), jnp.float32)] * 2,
          [pltpu.SemaphoreType.DMA] * 2,
          [pltpu.SemaphoreType.DMA] * 2,
      ],
      compiler_params=pltpu.CompilerParams(
          use_tc_tiling_on_sc=False, needs_layout_passes=False),
  )
  def gather_kernel(table_hbm, idx_hbm, out_hbm, idx_v, gl, rows, tbuf,
                    gsem, ssem):
    wid = lax.axis_index("s") * _NC + lax.axis_index("c")
    pltpu.sync_copy(idx_hbm.at[pl.ds(wid * _IDX_PER_W, _IDX_PER_W)], idx_v)

    iota = lax.iota(jnp.int32, 16)
    iota_nf = iota * N_FIELDS

    def unit_fb(u):
      bt = u // N_FIELDS
      f = u - bt * N_FIELDS
      return f, bt

    def build_and_fire(u, s):
      f, bt = unit_fb(u)
      ibase = bt * (_BB * N_FIELDS) + f
      for j in range(_BB // 16):
        v = plsc.load_gather(idx_v, [iota_nf + (ibase + j * 16 * N_FIELDS)])
        gl[s][pl.ds(j * 16, 16)] = v
      pltpu.async_copy(table_hbm.at[gl[s]], rows[s], gsem[s])

    def wait_gather(s):
      pltpu.make_async_copy(table_hbm.at[gl[s]], rows[s], gsem[s]).wait()

    def transpose_and_store(u, s):
      f, bt = unit_fb(u)

      @plsc.parallel_loop(0, _BB, step=1, unroll=16)
      def _(i):
        icol = iota * 0 + i
        for h in range(EMBED_DIM // 16):
          v = rows[s][i, pl.ds(h * 16, 16)]
          plsc.store_scatter(tbuf[s], [iota + h * 16, icol], v)

      b0 = (wid * _BLK_PER_W + bt) * _BB
      return pltpu.async_copy(
          tbuf[s], out_hbm.at[f, pl.ds(0, EMBED_DIM), pl.ds(b0, _BB)],
          ssem[s])

    build_and_fire(0, 0)
    build_and_fire(1, 1)

    @pl.loop(0, (_UNITS - 2) // 2)
    def _(t):
      for s in range(2):
        u = t * 2 + s
        wait_gather(s)
        cp = transpose_and_store(u, s)
        build_and_fire(u + 2, s)
        cp.wait()

    for s in range(2):
      u = _UNITS - 2 + s
      wait_gather(s)
      transpose_and_store(u, s).wait()

  return gather_kernel


_gather = _make_gather()


@jax.jit
def kernel(x, embedding_matrix):
  idx = x.reshape(_B).astype(jnp.int32)
  out = _gather(embedding_matrix, idx)
  return jnp.transpose(out, (2, 0, 1))

# --- scband reference (transcript-rebuilt; emitter-appended) ---
"""Pipeline reference for scband-embedding-layer-28879360098852 (READ-ONLY COPY).

The authoritative reference and input builder live on the scoring server;
editing this copy changes nothing except your own understanding.
"""

import jax, jax.numpy as jnp
import numpy as np

VOCAB = 1000000
EMBED_DIM = 32
BATCH = 16384
N_FIELDS = 26

def setup_inputs(seed: int = 0) -> dict:
    key = jax.random.key(seed)
    k_idx, k_tab = jax.random.split(key)
    x = jax.random.randint(k_idx, (BATCH, N_FIELDS), 0, VOCAB, dtype=jnp.int64 if jax.config.jax_enable_x64 else jnp.int32)
    embedding_matrix = jax.random.normal(k_tab, (VOCAB, EMBED_DIM), dtype=jnp.float32)
    return {"x": x, "embedding_matrix": embedding_matrix}

def reference(x, embedding_matrix):
    # nn.Embedding.from_pretrained forward: row gather from the table
    return jnp.take(embedding_matrix, x, axis=0)

if __name__ == "__main__":
    import jax
    _d = setup_inputs()
    print(jax.jit(kernel)(*tuple(_d.values())))

</pallas_src>

<mosaic_0001>
#map = affine_map<(d0, d1) -> (0, 0)>
#map1 = affine_map<(d0, d1) -> (0)>
#map2 = affine_map<(d0, d1) -> (0, 0, 0)>
module attributes {stable_mosaic.version = 14 : i64} {
  func.func @gather_kernel(%arg0: i32, %arg1: i32, %arg2: memref<1000000x32xf32, #tpu.memory_space<hbm>>, %arg3: memref<425984xi32, #tpu.memory_space<hbm>>, %arg4: memref<26x32x16384xf32, #tpu.memory_space<hbm>>, %arg5: memref<13312xi32, #tpu.memory_space<vmem>>, %arg6: memref<256xi32, #tpu.memory_space<vmem>>, %arg7: memref<256xi32, #tpu.memory_space<vmem>>, %arg8: memref<256x32xf32, #tpu.memory_space<vmem>>, %arg9: memref<256x32xf32, #tpu.memory_space<vmem>>, %arg10: memref<32x256xf32, #tpu.memory_space<vmem>>, %arg11: memref<32x256xf32, #tpu.memory_space<vmem>>, %arg12: memref<!tpu.dma_semaphore, #tpu.memory_space<semaphore_mem>>, %arg13: memref<!tpu.dma_semaphore, #tpu.memory_space<semaphore_mem>>, %arg14: memref<!tpu.dma_semaphore, #tpu.memory_space<semaphore_mem>>, %arg15: memref<!tpu.dma_semaphore, #tpu.memory_space<semaphore_mem>>) attributes {dimension_semantics = [#tpu.dimension_semantics<core_parallel>, #tpu.dimension_semantics<subcore_parallel>], iteration_bounds = array<i64: 2, 16>, scalar_prefetch = 0 : i64, scratch_operands = 11 : i64, tpu.core_type = #tpu.core_type<sc_vector_subcore>, window_params = [{transform_indices = #map}, {transform_indices = #map1}, {transform_indices = #map2}]} {
    %mul3A = arith.constant 2 : i32
    %mul3A_0 = arith.muli %arg1, %mul3A : i32
    %add3A = arith.addi %mul3A_0, %arg0 : i32
    %mul3A_1 = arith.constant 13312 : i32
    %mul3A_2 = arith.muli %add3A, %mul3A_1 : i32
    "tpu.region"() ({
      %run_scoped3A = tpu.sem_alloc : memref<!tpu.dma_semaphore, #tpu.memory_space<semaphore_mem>>
      %dma_start3A_255 = tpu.memref_slice %arg3[%mul3A_2] : memref<425984xi32, #tpu.memory_space<hbm>> -> memref<13312xi32, #tpu.memory_space<hbm>>
      %dma_start3A_256 = tpu.memref_slice %arg3[%mul3A_2] : memref<425984xi32, #tpu.memory_space<hbm>> -> memref<13312xi32, #tpu.memory_space<hbm>>
      tpu.enqueue_dma source(%dma_start3A_256 : memref<13312xi32, #tpu.memory_space<hbm>>) target(%arg5 : memref<13312xi32, #tpu.memory_space<vmem>>) target_semaphore(%run_scoped3A : memref<!tpu.dma_semaphore, #tpu.memory_space<semaphore_mem>>)
      %dma_wait3A_257 = tpu.memref_slice %arg3[%mul3A_2] : memref<425984xi32, #tpu.memory_space<hbm>> -> memref<13312xi32, #tpu.memory_space<hbm>>
      %dma_wait3A_258 = tpu.memref_slice %arg3[%mul3A_2] : memref<425984xi32, #tpu.memory_space<hbm>> -> memref<13312xi32, #tpu.memory_space<hbm>>
      tpu.wait_dma2 semaphore(%run_scoped3A : memref<!tpu.dma_semaphore, #tpu.memory_space<semaphore_mem>>) src(%dma_wait3A_258 : memref<13312xi32, #tpu.memory_space<hbm>>) dst(%arg5 : memref<13312xi32, #tpu.memory_space<vmem>>)
      tpu.yield
    }) : () -> ()
    %iota3A = tpu.iota {dimensions = array<i32: 0>} : vector<16xi32>
    %mul3A_3 = arith.constant 26 : i32
    %mul3A_4 = vector.broadcast %mul3A_3 : i32 to vector<16xi32>
    %mul3A_5 = arith.muli %iota3A, %mul3A_4 : vector<16xi32>
    %add3A_6 = arith.constant 0 : i32
    %add3A_7 = vector.broadcast %add3A_6 : i32 to vector<16xi32>
    %add3A_8 = arith.addi %mul3A_5, %add3A_7 : vector<16xi32>
    %gather3A = tpu.vector_load_idx %arg5[%add3A_8] : memref<13312xi32, #tpu.memory_space<vmem>>[vector<16xi32>], vector<16xi32>,
    %swap3A = arith.constant 0 : index
    %swap3A_9 = tpu.vector_load %arg6[%swap3A] {strides = array<i32>} : memref<256xi32, #tpu.memory_space<vmem>>, vector<16xi32>,
    tpu.vector_store %arg6[%swap3A], %gather3A {strides = array<i32>} : memref<256xi32, #tpu.memory_space<vmem>>, vector<16xi32>,
    %add3A_10 = arith.constant 416 : i32
    %add3A_11 = vector.broadcast %add3A_10 : i32 to vector<16xi32>
    %add3A_12 = arith.addi %mul3A_5, %add3A_11 : vector<16xi32>
    %gather3A_13 = tpu.vector_load_idx %arg5[%add3A_12] : memref<13312xi32, #tpu.memory_space<vmem>>[vector<16xi32>], vector<16xi32>,
    %swap3A_14 = arith.constant 16 : index
    %swap3A_15 = tpu.vector_load %arg6[%swap3A_14] {strides = array<i32>} : memref<256xi32, #tpu.memory_space<vmem>>, vector<16xi32>,
    tpu.vector_store %arg6[%swap3A_14], %gather3A_13 {strides = array<i32>} : memref<256xi32, #tpu.memory_space<vmem>>, vector<16xi32>,
    %add3A_16 = arith.constant 832 : i32
    %add3A_17 = vector.broadcast %add3A_16 : i32 to vector<16xi32>
    %add3A_18 = arith.addi %mul3A_5, %add3A_17 : vector<16xi32>
    %gather3A_19 = tpu.vector_load_idx %arg5[%add3A_18] : memref<13312xi32, #tpu.memory_space<vmem>>[vector<16xi32>], vector<16xi32>,
    %swap3A_20 = arith.constant 32 : index
    %swap3A_21 = tpu.vector_load %arg6[%swap3A_20] {strides = array<i32>} : memref<256xi32, #tpu.memory_space<vmem>>, vector<16xi32>,
    tpu.vector_store %arg6[%swap3A_20], %gather3A_19 {strides = array<i32>} : memref<256xi32, #tpu.memory_space<vmem>>, vector<16xi32>,
    %add3A_22 = arith.constant 1248 : i32
    %add3A_23 = vector.broadcast %add3A_22 : i32 to vector<16xi32>
    %add3A_24 = arith.addi %mul3A_5, %add3A_23 : vector<16xi32>
    %gather3A_25 = tpu.vector_load_idx %arg5[%add3A_24] : memref<13312xi32, #tpu.memory_space<vmem>>[vector<16xi32>], vector<16xi32>,
    %swap3A_26 = arith.constant 48 : index
    %swap3A_27 = tpu.vector_load %arg6[%swap3A_26] {strides = array<i32>} : memref<256xi32, #tpu.memory_space<vmem>>, vector<16xi32>,
    tpu.vector_store %arg6[%swap3A_26], %gather3A_25 {strides = array<i32>} : memref<256xi32, #tpu.memory_space<vmem>>, vector<16xi32>,
    %add3A_28 = arith.constant 1664 : i32
    %add3A_29 = vector.broadcast %add3A_28 : i32 to vector<16xi32>
    %add3A_30 = arith.addi %mul3A_5, %add3A_29 : vector<16xi32>
    %gather3A_31 = tpu.vector_load_idx %arg5[%add3A_30] : memref<13312xi32, #tpu.memory_space<vmem>>[vector<16xi32>], vector<16xi32>,
    %swap3A_32 = arith.constant 64 : index
    %swap3A_33 = tpu.vector_load %arg6[%swap3A_32] {strides = array<i32>} : memref<256xi32, #tpu.memory_space<vmem>>, vector<16xi32>,
    tpu.vector_store %arg6[%swap3A_32], %gather3A_31 {strides = array<i32>} : memref<256xi32, #tpu.memory_space<vmem>>, vector<16xi32>,
    %add3A_34 = arith.constant 2080 : i32
    %add3A_35 = vector.broadcast %add3A_34 : i32 to vector<16xi32>
    %add3A_36 = arith.addi %mul3A_5, %add3A_35 : vector<16xi32>
    %gather3A_37 = tpu.vector_load_idx %arg5[%add3A_36] : memref<13312xi32, #tpu.memory_space<vmem>>[vector<16xi32>], vector<16xi32>,
    %swap3A_38 = arith.constant 80 : index
    %swap3A_39 = tpu.vector_load %arg6[%swap3A_38] {strides = array<i32>} : memref<256xi32, #tpu.memory_space<vmem>>, vector<16xi32>,
    tpu.vector_store %arg6[%swap3A_38], %gather3A_37 {strides = array<i32>} : memref<256xi32, #tpu.memory_space<vmem>>, vector<16xi32>,
    %add3A_40 = arith.constant 2496 : i32
    %add3A_41 = vector.broadcast %add3A_40 : i32 to vector<16xi32>
    %add3A_42 = arith.addi %mul3A_5, %add3A_41 : vector<16xi32>
    %gather3A_43 = tpu.vector_load_idx %arg5[%add3A_42] : memref<13312xi32, #tpu.memory_space<vmem>>[vector<16xi32>], vector<16xi32>,
    %swap3A_44 = arith.constant 96 : index
    %swap3A_45 = tpu.vector_load %arg6[%swap3A_44] {strides = array<i32>} : memref<256xi32, #tpu.memory_space<vmem>>, vector<16xi32>,
    tpu.vector_store %arg6[%swap3A_44], %gather3A_43 {strides = array<i32>} : memref<256xi32, #tpu.memory_space<vmem>>, vector<16xi32>,
    %add3A_46 = arith.constant 2912 : i32
    %add3A_47 = vector.broadcast %add3A_46 : i32 to vector<16xi32>
    %add3A_48 = arith.addi %mul3A_5, %add3A_47 : vector<16xi32>
    %gather3A_49 = tpu.vector_load_idx %arg5[%add3A_48] : memref<13312xi32, #tpu.memory_space<vmem>>[vector<16xi32>], vector<16xi32>,
    %swap3A_50 = arith.constant 112 : index
    %swap3A_51 = tpu.vector_load %arg6[%swap3A_50] {strides = array<i32>} : memref<256xi32, #tpu.memory_space<vmem>>, vector<16xi32>,
    tpu.vector_store %arg6[%swap3A_50], %gather3A_49 {strides = array<i32>} : memref<256xi32, #tpu.memory_space<vmem>>, vector<16xi32>,
    %add3A_52 = arith.constant 3328 : i32
    %add3A_53 = vector.broadcast %add3A_52 : i32 to vector<16xi32>
    %add3A_54 = arith.addi %mul3A_5, %add3A_53 : vector<16xi32>
    %gather3A_55 = tpu.vector_load_idx %arg5[%add3A_54] : memref<13312xi32, #tpu.memory_space<vmem>>[vector<16xi32>], vector<16xi32>,
    %swap3A_56 = arith.constant 128 : index
    %swap3A_57 = tpu.vector_load %arg6[%swap3A_56] {strides = array<i32>} : memref<256xi32, #tpu.memory_space<vmem>>, vector<16xi32>,
    tpu.vector_store %arg6[%swap3A_56], %gather3A_55 {strides = array<i32>} : memref<256xi32, #tpu.memory_space<vmem>>, vector<16xi32>,
    %add3A_58 = arith.constant 3744 : i32
    %add3A_59 = vector.broadcast %add3A_58 : i32 to vector<16xi32>
    %add3A_60 = arith.addi %mul3A_5, %add3A_59 : vector<16xi32>
    %gather3A_61 = tpu.vector_load_idx %arg5[%add3A_60] : memref<13312xi32, #tpu.memory_space<vmem>>[vector<16xi32>], vector<16xi32>,
    %swap3A_62 = arith.constant 144 : index
    %swap3A_63 = tpu.vector_load %arg6[%swap3A_62] {strides = array<i32>} : memref<256xi32, #tpu.memory_space<vmem>>, vector<16xi32>,
    tpu.vector_store %arg6[%swap3A_62], %gather3A_61 {strides = array<i32>} : memref<256xi32, #tpu.memory_space<vmem>>, vector<16xi32>,
    %add3A_64 = arith.constant 4160 : i32
    %add3A_65 = vector.broadcast %add3A_64 : i32 to vector<16xi32>
    %add3A_66 = arith.addi %mul3A_5, %add3A_65 : vector<16xi32>
    %gather3A_67 = tpu.vector_load_idx %arg5[%add3A_66] : memref<13312xi32, #tpu.memory_space<vmem>>[vector<16xi32>], vector<16xi32>,
    %swap3A_68 = arith.constant 160 : index
    %swap3A_69 = tpu.vector_load %arg6[%swap3A_68] {strides = array<i32>} : memref<256xi32, #tpu.memory_space<vmem>>, vector<16xi32>,
    tpu.vector_store %arg6[%swap3A_68], %gather3A_67 {strides = array<i32>} : memref<256xi32, #tpu.memory_space<vmem>>, vector<16xi32>,
    %add3A_70 = arith.constant 4576 : i32
    %add3A_71 = vector.broadcast %add3A_70 : i32 to vector<16xi32>
    %add3A_72 = arith.addi %mul3A_5, %add3A_71 : vector<16xi32>
    %gather3A_73 = tpu.vector_load_idx %arg5[%add3A_72] : memref<13312xi32, #tpu.memory_space<vmem>>[vector<16xi32>], vector<16xi32>,
    %swap3A_74 = arith.constant 176 : index
    %swap3A_75 = tpu.vector_load %arg6[%swap3A_74] {strides = array<i32>} : memref<256xi32, #tpu.memory_space<vmem>>, vector<16xi32>,
    tpu.vector_store %arg6[%swap3A_74], %gather3A_73 {strides = array<i32>} : memref<256xi32, #tpu.memory_space<vmem>>, vector<16xi32>,
    %add3A_76 = arith.constant 4992 : i32
    %add3A_77 = vector.broadcast %add3A_76 : i32 to vector<16xi32>
    %add3A_78 = arith.addi %mul3A_5, %add3A_77 : vector<16xi32>
    %gather3A_79 = tpu.vector_load_idx %arg5[%add3A_78] : memref<13312xi32, #tpu.memory_space<vmem>>[vector<16xi32>], vector<16xi32>,
    %swap3A_80 = arith.constant 192 : index
    %swap3A_81 = tpu.vector_load %arg6[%swap3A_80] {strides = array<i32>} : memref<256xi32, #tpu.memory_space<vmem>>, vector<16xi32>,
    tpu.vector_store %arg6[%swap3A_80], %gather3A_79 {strides = array<i32>} : memref<256xi32, #tpu.memory_space<vmem>>, vector<16xi32>,
    %add3A_82 = arith.constant 5408 : i32
    %add3A_83 = vector.broadcast %add3A_82 : i32 to vector<16xi32>
    %add3A_84 = arith.addi %mul3A_5, %add3A_83 : vector<16xi32>
    %gather3A_85 = tpu.vector_load_idx %arg5[%add3A_84] : memref<13312xi32, #tpu.memory_space<vmem>>[vector<16xi32>], vector<16xi32>,
    %swap3A_86 = arith.constant 208 : index
    %swap3A_87 = tpu.vector_load %arg6[%swap3A_86] {strides = array<i32>} : memref<256xi32, #tpu.memory_space<vmem>>, vector<16xi32>,
    tpu.vector_store %arg6[%swap3A_86], %gather3A_85 {strides = array<i32>} : memref<256xi32, #tpu.memory_space<vmem>>, vector<16xi32>,
    %add3A_88 = arith.constant 5824 : i32
    %add3A_89 = vector.broadcast %add3A_88 : i32 to vector<16xi32>
    %add3A_90 = arith.addi %mul3A_5, %add3A_89 : vector<16xi32>
    %gather3A_91 = tpu.vector_load_idx %arg5[%add3A_90] : memref<13312xi32, #tpu.memory_space<vmem>>[vector<16xi32>], vector<16xi32>,
    %swap3A_92 = arith.constant 224 : index
    %swap3A_93 = tpu.vector_load %arg6[%swap3A_92] {strides = array<i32>} : memref<256xi32, #tpu.memory_space<vmem>>, vector<16xi32>,
    tpu.vector_store %arg6[%swap3A_92], %gather3A_91 {strides = array<i32>} : memref<256xi32, #tpu.memory_space<vmem>>, vector<16xi32>,
    %add3A_94 = arith.constant 6240 : i32
    %add3A_95 = vector.broadcast %add3A_94 : i32 to vector<16xi32>
    %add3A_96 = arith.addi %mul3A_5, %add3A_95 : vector<16xi32>
    %gather3A_97 = tpu.vector_load_idx %arg5[%add3A_96] : memref<13312xi32, #tpu.memory_space<vmem>>[vector<16xi32>], vector<16xi32>,
    %swap3A_98 = arith.constant 240 : index
    %swap3A_99 = tpu.vector_load %arg6[%swap3A_98] {strides = array<i32>} : memref<256xi32, #tpu.memory_space<vmem>>, vector<16xi32>,
    tpu.vector_store %arg6[%swap3A_98], %gather3A_97 {strides = array<i32>} : memref<256xi32, #tpu.memory_space<vmem>>, vector<16xi32>,
    %dma_start3A = arith.constant 0 : i32
    %dma_start3A_100 = arith.constant 0 : i32
    %dma_start3A_101 = tpu.memref_slice %arg2[%dma_start3A, %dma_start3A_100] : memref<1000000x32xf32, #tpu.memory_space<hbm>> -> memref<1000000x32xf32, #tpu.memory_space<hbm>>
    tpu.enqueue_indirect_dma source(%dma_start3A_101 : memref<1000000x32xf32, #tpu.memory_space<hbm>>) target(%arg8 : memref<256x32xf32, #tpu.memory_space<vmem>>) offsets(%arg6 : memref<256xi32, #tpu.memory_space<vmem>>) semaphore(%arg12 : memref<!tpu.dma_semaphore, #tpu.memory_space<semaphore_mem>>)
    %add3A_102 = arith.constant 1 : i32
    %add3A_103 = vector.broadcast %add3A_102 : i32 to vector<16xi32>
    %add3A_104 = arith.addi %mul3A_5, %add3A_103 : vector<16xi32>
    %gather3A_105 = tpu.vector_load_idx %arg5[%add3A_104] : memref<13312xi32, #tpu.memory_space<vmem>>[vector<16xi32>], vector<16xi32>,
    %swap3A_106 = arith.constant 0 : index
    %swap3A_107 = tpu.vector_load %arg7[%swap3A_106] {strides = array<i32>} : memref<256xi32, #tpu.memory_space<vmem>>, vector<16xi32>,
    tpu.vector_store %arg7[%swap3A_106], %gather3A_105 {strides = array<i32>} : memref<256xi32, #tpu.memory_space<vmem>>, vector<16xi32>,
    %add3A_108 = arith.constant 417 : i32
    %add3A_109 = vector.broadcast %add3A_108 : i32 to vector<16xi32>
    %add3A_110 = arith.addi %mul3A_5, %add3A_109 : vector<16xi32>
    %gather3A_111 = tpu.vector_load_idx %arg5[%add3A_110] : memref<13312xi32, #tpu.memory_space<vmem>>[vector<16xi32>], vector<16xi32>,
    %swap3A_112 = arith.constant 16 : index
    %swap3A_113 = tpu.vector_load %arg7[%swap3A_112] {strides = array<i32>} : memref<256xi32, #tpu.memory_space<vmem>>, vector<16xi32>,
    tpu.vector_store %arg7[%swap3A_112], %gather3A_111 {strides = array<i32>} : memref<256xi32, #tpu.memory_space<vmem>>, vector<16xi32>,
    %add3A_114 = arith.constant 833 : i32
    %add3A_115 = vector.broadcast %add3A_114 : i32 to vector<16xi32>
    %add3A_116 = arith.addi %mul3A_5, %add3A_115 : vector<16xi32>
    %gather3A_117 = tpu.vector_load_idx %arg5[%add3A_116] : memref<13312xi32, #tpu.memory_space<vmem>>[vector<16xi32>], vector<16xi32>,
    %swap3A_118 = arith.constant 32 : index
    %swap3A_119 = tpu.vector_load %arg7[%swap3A_118] {strides = array<i32>} : memref<256xi32, #tpu.memory_space<vmem>>, vector<16xi32>,
    tpu.vector_store %arg7[%swap3A_118], %gather3A_117 {strides = array<i32>} : memref<256xi32, #tpu.memory_space<vmem>>, vector<16xi32>,
    %add3A_120 = arith.constant 1249 : i32
    %add3A_121 = vector.broadcast %add3A_120 : i32 to vector<16xi32>
    %add3A_122 = arith.addi %mul3A_5, %add3A_121 : vector<16xi32>
    %gather3A_123 = tpu.vector_load_idx %arg5[%add3A_122] : memref<13312xi32, #tpu.memory_space<vmem>>[vector<16xi32>], vector<16xi32>,
    %swap3A_124 = arith.constant 48 : index
    %swap3A_125 = tpu.vector_load %arg7[%swap3A_124] {strides = array<i32>} : memref<256xi32, #tpu.memory_space<vmem>>, vector<16xi32>,
    tpu.vector_store %arg7[%swap3A_124], %gather3A_123 {strides = array<i32>} : memref<256xi32, #tpu.memory_space<vmem>>, vector<16xi32>,
    %add3A_126 = arith.constant 1665 : i32
    %add3A_127 = vector.broadcast %add3A_126 : i32 to vector<16xi32>
    %add3A_128 = arith.addi %mul3A_5, %add3A_127 : vector<16xi32>
    %gather3A_129 = tpu.vector_load_idx %arg5[%add3A_128] : memref<13312xi32, #tpu.memory_space<vmem>>[vector<16xi32>], vector<16xi32>,
    %swap3A_130 = arith.constant 64 : index
    %swap3A_131 = tpu.vector_load %arg7[%swap3A_130] {strides = array<i32>} : memref<256xi32, #tpu.memory_space<vmem>>, vector<16xi32>,
    tpu.vector_store %arg7[%swap3A_130], %gather3A_129 {strides = array<i32>} : memref<256xi32, #tpu.memory_space<vmem>>, vector<16xi32>,
    %add3A_132 = arith.constant 2081 : i32
    %add3A_133 = vector.broadcast %add3A_132 : i32 to vector<16xi32>
    %add3A_134 = arith.addi %mul3A_5, %add3A_133 : vector<16xi32>
    %gather3A_135 = tpu.vector_load_idx %arg5[%add3A_134] : memref<13312xi32, #tpu.memory_space<vmem>>[vector<16xi32>], vector<16xi32>,
    %swap3A_136 = arith.constant 80 : index
    %swap3A_137 = tpu.vector_load %arg7[%swap3A_136] {strides = array<i32>} : memref<256xi32, #tpu.memory_space<vmem>>, vector<16xi32>,
    tpu.vector_store %arg7[%swap3A_136], %gather3A_135 {strides = array<i32>} : memref<256xi32, #tpu.memory_space<vmem>>, vector<16xi32>,
    %add3A_138 = arith.constant 2497 : i32
    %add3A_139 = vector.broadcast %add3A_138 : i32 to vector<16xi32>
    %add3A_140 = arith.addi %mul3A_5, %add3A_139 : vector<16xi32>
    %gather3A_141 = tpu.vector_load_idx %arg5[%add3A_140] : memref<13312xi32, #tpu.memory_space<vmem>>[vector<16xi32>], vector<16xi32>,
    %swap3A_142 = arith.constant 96 : index
    %swap3A_143 = tpu.vector_load %arg7[%swap3A_142] {strides = array<i32>} : memref<256xi32, #tpu.memory_space<vmem>>, vector<16xi32>,
    tpu.vector_store %arg7[%swap3A_142], %gather3A_141 {strides = array<i32>} : memref<256xi32, #tpu.memory_space<vmem>>, vector<16xi32>,
    %add3A_144 = arith.constant 2913 : i32
    %add3A_145 = vector.broadcast %add3A_144 : i32 to vector<16xi32>
    %add3A_146 = arith.addi %mul3A_5, %add3A_145 : vector<16xi32>
    %gather3A_147 = tpu.vector_load_idx %arg5[%add3A_146] : memref<13312xi32, #tpu.memory_space<vmem>>[vector<16xi32>], vector<16xi32>,
    %swap3A_148 = arith.constant 112 : index
    %swap3A_149 = tpu.vector_load %arg7[%swap3A_148] {strides = array<i32>} : memref<256xi32, #tpu.memory_space<vmem>>, vector<16xi32>,
    tpu.vector_store %arg7[%swap3A_148], %gather3A_147 {strides = array<i32>} : memref<256xi32, #tpu.memory_space<vmem>>, vector<16xi32>,
    %add3A_150 = arith.constant 3329 : i32
    %add3A_151 = vector.broadcast %add3A_150 : i32 to vector<16xi32>
    %add3A_152 = arith.addi %mul3A_5, %add3A_151 : vector<16xi32>
    %gather3A_153 = tpu.vector_load_idx %arg5[%add3A_152] : memref<13312xi32, #tpu.memory_space<vmem>>[vector<16xi32>], vector<16xi32>,
    %swap3A_154 = arith.constant 128 : index
    %swap3A_155 = tpu.vector_load %arg7[%swap3A_154] {strides = array<i32>} : memref<256xi32, #tpu.memory_space<vmem>>, vector<16xi32>,
    tpu.vector_store %arg7[%swap3A_154], %gather3A_153 {strides = array<i32>} : memref<256xi32, #tpu.memory_space<vmem>>, vector<16xi32>,
    %add3A_156 = arith.constant 3745 : i32
    %add3A_157 = vector.broadcast %add3A_156 : i32 to vector<16xi32>
    %add3A_158 = arith.addi %mul3A_5, %add3A_157 : vector<16xi32>
    %gather3A_159 = tpu.vector_load_idx %arg5[%add3A_158] : memref<13312xi32, #tpu.memory_space<vmem>>[vector<16xi32>], vector<16xi32>,
    %swap3A_160 = arith.constant 144 : index
    %swap3A_161 = tpu.vector_load %arg7[%swap3A_160] {strides = array<i32>} : memref<256xi32, #tpu.memory_space<vmem>>, vector<16xi32>,
    tpu.vector_store %arg7[%swap3A_160], %gather3A_159 {strides = array<i32>} : memref<256xi32, #tpu.memory_space<vmem>>, vector<16xi32>,
    %add3A_162 = arith.constant 4161 : i32
    %add3A_163 = vector.broadcast %add3A_162 : i32 to vector<16xi32>
    %add3A_164 = arith.addi %mul3A_5, %add3A_163 : vector<16xi32>
    %gather3A_165 = tpu.vector_load_idx %arg5[%add3A_164] : memref<13312xi32, #tpu.memory_space<vmem>>[vector<16xi32>], vector<16xi32>,
    %swap3A_166 = arith.constant 160 : index
    %swap3A_167 = tpu.vector_load %arg7[%swap3A_166] {strides = array<i32>} : memref<256xi32, #tpu.memory_space<vmem>>, vector<16xi32>,
    tpu.vector_store %arg7[%swap3A_166], %gather3A_165 {strides = array<i32>} : memref<256xi32, #tpu.memory_space<vmem>>, vector<16xi32>,
    %add3A_168 = arith.constant 4577 : i32
    %add3A_169 = vector.broadcast %add3A_168 : i32 to vector<16xi32>
    %add3A_170 = arith.addi %mul3A_5, %add3A_169 : vector<16xi32>
    %gather3A_171 = tpu.vector_load_idx %arg5[%add3A_170] : memref<13312xi32, #tpu.memory_space<vmem>>[vector<16xi32>], vector<16xi32>,
    %swap3A_172 = arith.constant 176 : index
    %swap3A_173 = tpu.vector_load %arg7[%swap3A_172] {strides = array<i32>} : memref<256xi32, #tpu.memory_space<vmem>>, vector<16xi32>,
    tpu.vector_store %arg7[%swap3A_172], %gather3A_171 {strides = array<i32>} : memref<256xi32, #tpu.memory_space<vmem>>, vector<16xi32>,
    %add3A_174 = arith.constant 4993 : i32
    %add3A_175 = vector.broadcast %add3A_174 : i32 to vector<16xi32>
    %add3A_176 = arith.addi %mul3A_5, %add3A_175 : vector<16xi32>
    %gather3A_177 = tpu.vector_load_idx %arg5[%add3A_176] : memref<13312xi32, #tpu.memory_space<vmem>>[vector<16xi32>], vector<16xi32>,
    %swap3A_178 = arith.constant 192 : index
    %swap3A_179 = tpu.vector_load %arg7[%swap3A_178] {strides = array<i32>} : memref<256xi32, #tpu.memory_space<vmem>>, vector<16xi32>,
    tpu.vector_store %arg7[%swap3A_178], %gather3A_177 {strides = array<i32>} : memref<256xi32, #tpu.memory_space<vmem>>, vector<16xi32>,
    %add3A_180 = arith.constant 5409 : i32
    %add3A_181 = vector.broadcast %add3A_180 : i32 to vector<16xi32>
    %add3A_182 = arith.addi %mul3A_5, %add3A_181 : vector<16xi32>
    %gather3A_183 = tpu.vector_load_idx %arg5[%add3A_182] : memref<13312xi32, #tpu.memory_space<vmem>>[vector<16xi32>], vector<16xi32>,
    %swap3A_184 = arith.constant 208 : index
    %swap3A_185 = tpu.vector_load %arg7[%swap3A_184] {strides = array<i32>} : memref<256xi32, #tpu.memory_space<vmem>>, vector<16xi32>,
    tpu.vector_store %arg7[%swap3A_184], %gather3A_183 {strides = array<i32>} : memref<256xi32, #tpu.memory_space<vmem>>, vector<16xi32>,
    %add3A_186 = arith.constant 5825 : i32
    %add3A_187 = vector.broadcast %add3A_186 : i32 to vector<16xi32>
    %add3A_188 = arith.addi %mul3A_5, %add3A_187 : vector<16xi32>
    %gather3A_189 = tpu.vector_load_idx %arg5[%add3A_188] : memref<13312xi32, #tpu.memory_space<vmem>>[vector<16xi32>], vector<16xi32>,
    %swap3A_190 = arith.constant 224 : index
    %swap3A_191 = tpu.vector_load %arg7[%swap3A_190] {strides = array<i32>} : memref<256xi32, #tpu.memory_space<vmem>>, vector<16xi32>,
    tpu.vector_store %arg7[%swap3A_190], %gather3A_189 {strides = array<i32>} : memref<256xi32, #tpu.memory_space<vmem>>, vector<16xi32>,
    %add3A_192 = arith.constant 6241 : i32
    %add3A_193 = vector.broadcast %add3A_192 : i32 to vector<16xi32>
    %add3A_194 = arith.addi %mul3A_5, %add3A_193 : vector<16xi32>
    %gather3A_195 = tpu.vector_load_idx %arg5[%add3A_194] : memref<13312xi32, #tpu.memory_space<vmem>>[vector<16xi32>], vector<16xi32>,
    %swap3A_196 = arith.constant 240 : index
    %swap3A_197 = tpu.vector_load %arg7[%swap3A_196] {strides = array<i32>} : memref<256xi32, #tpu.memory_space<vmem>>, vector<16xi32>,
    tpu.vector_store %arg7[%swap3A_196], %gather3A_195 {strides = array<i32>} : memref<256xi32, #tpu.memory_space<vmem>>, vector<16xi32>,
    %dma_start3A_198 = arith.constant 0 : i32
    %dma_start3A_199 = arith.constant 0 : i32
    %dma_start3A_200 = tpu.memref_slice %arg2[%dma_start3A_198, %dma_start3A_199] : memref<1000000x32xf32, #tpu.memory_space<hbm>> -> memref<1000000x32xf32, #tpu.memory_space<hbm>>
    tpu.enqueue_indirect_dma source(%dma_start3A_200 : memref<1000000x32xf32, #tpu.memory_space<hbm>>) target(%arg9 : memref<256x32xf32, #tpu.memory_space<vmem>>) offsets(%arg7 : memref<256xi32, #tpu.memory_space<vmem>>) semaphore(%arg13 : memref<!tpu.dma_semaphore, #tpu.memory_space<semaphore_mem>>)
    %scan3A = arith.constant 0 : i32
    %scan3A_201 = arith.constant 25 : i32
    %scan3A_202 = arith.addi %scan3A, %scan3A_201 : i32
    %scan3A_203 = arith.constant 1 : i32
    scf.for %scan3A_255 = %scan3A to %scan3A_202 step %scan3A_203  : i32 {
      %mul3A_256 = arith.constant 1 : i32
      %mul3A_257 = arith.muli %scan3A_255, %mul3A_256 : i32
      %add3A_258 = arith.constant 0 : i32
      %add3A_259 = arith.addi %add3A_258, %mul3A_257 : i32
      %mul3A_260 = arith.constant 2 : i32
      %mul3A_261 = arith.muli %add3A_259, %mul3A_260 : i32
      %add3A_262 = arith.constant 0 : i32
      %add3A_263 = arith.addi %mul3A_261, %add3A_262 : i32
      %dma_wait3A_264 = arith.constant 0 : i32
      %dma_wait3A_265 = arith.constant 0 : i32
      %dma_wait3A_266 = tpu.memref_slice %arg2[%dma_wait3A_264, %dma_wait3A_265] : memref<1000000x32xf32, #tpu.memory_space<hbm>> -> memref<1000000x32xf32, #tpu.memory_space<hbm>>
      tpu.wait_indirect_dma semaphore(%arg12 : memref<!tpu.dma_semaphore, #tpu.memory_space<semaphore_mem>>) src(%dma_wait3A_266 : memref<1000000x32xf32, #tpu.memory_space<hbm>>) dst(%arg8 : memref<256x32xf32, #tpu.memory_space<vmem>>)
      %jit3A = arith.constant 26 : i32
      %div3A = arith.divsi %add3A_263, %jit3A : i32
      %sign3A = arith.constant 0 : i32
      %sign3A_267 = arith.cmpi sgt, %add3A_263, %sign3A : i32
      %sign3A_268 = arith.extui %sign3A_267 : i1 to i32
      %sign3A_269 = arith.constant 0 : i32
      %sign3A_270 = arith.cmpi slt, %add3A_263, %sign3A_269 : i32
      %sign3A_271 = arith.extui %sign3A_270 : i1 to i32
      %sign3A_272 = arith.subi %sign3A_268, %sign3A_271 : i32
      %sign3A_273 = arith.constant 0 : i32
      %sign3A_274 = arith.cmpi sgt, %jit3A, %sign3A_273 : i32
      %sign3A_275 = arith.extui %sign3A_274 : i1 to i32
      %sign3A_276 = arith.constant 0 : i32
      %sign3A_277 = arith.cmpi slt, %jit3A, %sign3A_276 : i32
      %sign3A_278 = arith.extui %sign3A_277 : i1 to i32
      %sign3A_279 = arith.subi %sign3A_275, %sign3A_278 : i32
      %ne3A = arith.cmpi ne, %sign3A_272, %sign3A_279 : i32
      %rem3A = arith.remsi %add3A_263, %jit3A : i32
      %ne3A_280 = arith.constant 0 : i32
      %ne3A_281 = arith.cmpi ne, %rem3A, %ne3A_280 : i32
      %and3A = arith.andi %ne3A, %ne3A_281 : i1
      %sub3A = arith.constant 1 : i32
      %sub3A_282 = arith.subi %div3A, %sub3A : i32
      %select_n3A = arith.select %and3A, %sub3A_282, %div3A : i32
      %mul3A_283 = arith.constant 26 : i32
      %mul3A_284 = arith.muli %select_n3A, %mul3A_283 : i32
      %sub3A_285 = arith.subi %add3A_263, %mul3A_284 : i32
      %parallel_loop3A_286 = arith.constant 0 : i32
      %parallel_loop3A_287 = arith.constant 256 : i32
      %parallel_loop3A_288 = arith.constant 1 : i32
      scf.for %parallel_loop3A_654 = %parallel_loop3A_286 to %parallel_loop3A_287 step %parallel_loop3A_288  : i32 {
        %parallel_loop3A_655 = arith.constant 0 : i32
        %parallel_loop3A_656 = vector.broadcast %parallel_loop3A_655 : i32 to vector<16xi32>
        %parallel_loop3A_657 = arith.muli %iota3A, %parallel_loop3A_656 : vector<16xi32>
        %parallel_loop3A_658 = vector.broadcast %parallel_loop3A_654 : i32 to vector<16xi32>
        %parallel_loop3A_659 = arith.addi %parallel_loop3A_657, %parallel_loop3A_658 : vector<16xi32>
        %parallel_loop3A_660 = arith.index_cast %parallel_loop3A_654 : i32 to index
        %parallel_loop3A_661 = arith.constant 0 : index
        %parallel_loop3A_662 = tpu.vector_load %arg8[%parallel_loop3A_660, %parallel_loop3A_661] {strides = array<i32>} : memref<256x32xf32, #tpu.memory_space<vmem>>, vector<16xf32>,
        %parallel_loop3A_663 = arith.constant 0 : i32
        %parallel_loop3A_664 = vector.broadcast %parallel_loop3A_663 : i32 to vector<16xi32>
        %parallel_loop3A_665 = arith.addi %iota3A, %parallel_loop3A_664 : vector<16xi32>
        tpu.vector_store_idx %arg10[%parallel_loop3A_665, %parallel_loop3A_659], %parallel_loop3A_662 : memref<32x256xf32, #tpu.memory_space<vmem>>[vector<16xi32>, vector<16xi32>], vector<16xf32>,
        %parallel_loop3A_666 = arith.index_cast %parallel_loop3A_654 : i32 to index
        %parallel_loop3A_667 = arith.constant 16 : index
        %parallel_loop3A_668 = tpu.vector_load %arg8[%parallel_loop3A_666, %parallel_loop3A_667] {strides = array<i32>} : memref<256x32xf32, #tpu.memory_space<vmem>>, vector<16xf32>,
        %parallel_loop3A_669 = arith.constant 16 : i32
        %parallel_loop3A_670 = vector.broadcast %parallel_loop3A_669 : i32 to vector<16xi32>
        %parallel_loop3A_671 = arith.addi %iota3A, %parallel_loop3A_670 : vector<16xi32>
        tpu.vector_store_idx %arg10[%parallel_loop3A_671, %parallel_loop3A_659], %parallel_loop3A_668 : memref<32x256xf32, #tpu.memory_space<vmem>>[vector<16xi32>, vector<16xi32>], vector<16xf32>,
      } {sc.loop_unroll_factor = 16 : i64, sc.parallel_access}
      %mul3A_289 = arith.constant 2 : i32
      %mul3A_290 = arith.muli %add3A, %mul3A_289 : i32
      %add3A_291 = arith.addi %mul3A_290, %select_n3A : i32
      %mul3A_292 = arith.constant 256 : i32
      %mul3A_293 = arith.muli %add3A_291, %mul3A_292 : i32
      %dma_start3A_294 = arith.constant 0 : i32
      %dma_start3A_295 = tpu.memref_slice %arg4[%sub3A_285, %dma_start3A_294, %mul3A_293] : memref<26x32x16384xf32, #tpu.memory_space<hbm>> -> memref<1x32x256xf32, #tpu.memory_space<hbm>>
      %dma_start3A_296 = tpu.memref_squeeze %dma_start3A_295 : memref<1x32x256xf32, #tpu.memory_space<hbm>> -> memref<32x256xf32, #tpu.memory_space<hbm>>
      %dma_start3A_297 = arith.constant 0 : i32
      %dma_start3A_298 = tpu.memref_slice %arg4[%sub3A_285, %dma_start3A_297, %mul3A_293] : memref<26x32x16384xf32, #tpu.memory_space<hbm>> -> memref<1x32x256xf32, #tpu.memory_space<hbm>>
      %dma_start3A_299 = tpu.memref_squeeze %dma_start3A_298 : memref<1x32x256xf32, #tpu.memory_space<hbm>> -> memref<32x256xf32, #tpu.memory_space<hbm>>
      tpu.enqueue_dma source(%arg10 : memref<32x256xf32, #tpu.memory_space<vmem>>) target(%dma_start3A_299 : memref<32x256xf32, #tpu.memory_space<hbm>>) target_semaphore(%arg14 : memref<!tpu.dma_semaphore, #tpu.memory_space<semaphore_mem>>)
      %add3A_300 = arith.constant 2 : i32
      %add3A_301 = arith.addi %add3A_263, %add3A_300 : i32
      %jit3A_302 = arith.constant 26 : i32
      %div3A_303 = arith.divsi %add3A_301, %jit3A_302 : i32
      %sign3A_304 = arith.constant 0 : i32
      %sign3A_305 = arith.cmpi sgt, %add3A_301, %sign3A_304 : i32
      %sign3A_306 = arith.extui %sign3A_305 : i1 to i32
      %sign3A_307 = arith.constant 0 : i32
      %sign3A_308 = arith.cmpi slt, %add3A_301, %sign3A_307 : i32
      %sign3A_309 = arith.extui %sign3A_308 : i1 to i32
      %sign3A_310 = arith.subi %sign3A_306, %sign3A_309 : i32
      %sign3A_311 = arith.constant 0 : i32
      %sign3A_312 = arith.cmpi sgt, %jit3A_302, %sign3A_311 : i32
      %sign3A_313 = arith.extui %sign3A_312 : i1 to i32
      %sign3A_314 = arith.constant 0 : i32
      %sign3A_315 = arith.cmpi slt, %jit3A_302, %sign3A_314 : i32
      %sign3A_316 = arith.extui %sign3A_315 : i1 to i32
      %sign3A_317 = arith.subi %sign3A_313, %sign3A_316 : i32
      %ne3A_318 = arith.cmpi ne, %sign3A_310, %sign3A_317 : i32
      %rem3A_319 = arith.remsi %add3A_301, %jit3A_302 : i32
      %ne3A_320 = arith.constant 0 : i32
      %ne3A_321 = arith.cmpi ne, %rem3A_319, %ne3A_320 : i32
      %and3A_322 = arith.andi %ne3A_318, %ne3A_321 : i1
      %sub3A_323 = arith.constant 1 : i32
      %sub3A_324 = arith.subi %div3A_303, %sub3A_323 : i32
      %select_n3A_325 = arith.select %and3A_322, %sub3A_324, %div3A_303 : i32
      %mul3A_326 = arith.constant 26 : i32
      %mul3A_327 = arith.muli %select_n3A_325, %mul3A_326 : i32
      %sub3A_328 = arith.subi %add3A_301, %mul3A_327 : i32
      %mul3A_329 = arith.constant 6656 : i32
      %mul3A_330 = arith.muli %select_n3A_325, %mul3A_329 : i32
      %add3A_331 = arith.addi %mul3A_330, %sub3A_328 : i32
      %add3A_332 = arith.constant 0 : i32
      %add3A_333 = arith.addi %add3A_331, %add3A_332 : i32
      %add3A_334 = vector.broadcast %add3A_333 : i32 to vector<16xi32>
      %add3A_335 = arith.addi %mul3A_5, %add3A_334 : vector<16xi32>
      %gather3A_336 = tpu.vector_load_idx %arg5[%add3A_335] : memref<13312xi32, #tpu.memory_space<vmem>>[vector<16xi32>], vector<16xi32>,
      %swap3A_337 = arith.constant 0 : index
      %swap3A_338 = tpu.vector_load %arg6[%swap3A_337] {strides = array<i32>} : memref<256xi32, #tpu.memory_space<vmem>>, vector<16xi32>,
      tpu.vector_store %arg6[%swap3A_337], %gather3A_336 {strides = array<i32>} : memref<256xi32, #tpu.memory_space<vmem>>, vector<16xi32>,
      %add3A_339 = arith.constant 416 : i32
      %add3A_340 = arith.addi %add3A_331, %add3A_339 : i32
      %add3A_341 = vector.broadcast %add3A_340 : i32 to vector<16xi32>
      %add3A_342 = arith.addi %mul3A_5, %add3A_341 : vector<16xi32>
      %gather3A_343 = tpu.vector_load_idx %arg5[%add3A_342] : memref<13312xi32, #tpu.memory_space<vmem>>[vector<16xi32>], vector<16xi32>,
      %swap3A_344 = arith.constant 16 : index
      %swap3A_345 = tpu.vector_load %arg6[%swap3A_344] {strides = array<i32>} : memref<256xi32, #tpu.memory_space<vmem>>, vector<16xi32>,
      tpu.vector_store %arg6[%swap3A_344], %gather3A_343 {strides = array<i32>} : memref<256xi32, #tpu.memory_space<vmem>>, vector<16xi32>,
      %add3A_346 = arith.constant 832 : i32
      %add3A_347 = arith.addi %add3A_331, %add3A_346 : i32
      %add3A_348 = vector.broadcast %add3A_347 : i32 to vector<16xi32>
      %add3A_349 = arith.addi %mul3A_5, %add3A_348 : vector<16xi32>
      %gather3A_350 = tpu.vector_load_idx %arg5[%add3A_349] : memref<13312xi32, #tpu.memory_space<vmem>>[vector<16xi32>], vector<16xi32>,
      %swap3A_351 = arith.constant 32 : index
      %swap3A_352 = tpu.vector_load %arg6[%swap3A_351] {strides = array<i32>} : memref<256xi32, #tpu.memory_space<vmem>>, vector<16xi32>,
      tpu.vector_store %arg6[%swap3A_351], %gather3A_350 {strides = array<i32>} : memref<256xi32, #tpu.memory_space<vmem>>, vector<16xi32>,
      %add3A_353 = arith.constant 1248 : i32
      %add3A_354 = arith.addi %add3A_331, %add3A_353 : i32
      %add3A_355 = vector.broadcast %add3A_354 : i32 to vector<16xi32>
      %add3A_356 = arith.addi %mul3A_5, %add3A_355 : vector<16xi32>
      %gather3A_357 = tpu.vector_load_idx %arg5[%add3A_356] : memref<13312xi32, #tpu.memory_space<vmem>>[vector<16xi32>], vector<16xi32>,
      %swap3A_358 = arith.constant 48 : index
      %swap3A_359 = tpu.vector_load %arg6[%swap3A_358] {strides = array<i32>} : memref<256xi32, #tpu.memory_space<vmem>>, vector<16xi32>,
      tpu.vector_store %arg6[%swap3A_358], %gather3A_357 {strides = array<i32>} : memref<256xi32, #tpu.memory_space<vmem>>, vector<16xi32>,
      %add3A_360 = arith.constant 1664 : i32
      %add3A_361 = arith.addi %add3A_331, %add3A_360 : i32
      %add3A_362 = vector.broadcast %add3A_361 : i32 to vector<16xi32>
      %add3A_363 = arith.addi %mul3A_5, %add3A_362 : vector<16xi32>
      %gather3A_364 = tpu.vector_load_idx %arg5[%add3A_363] : memref<13312xi32, #tpu.memory_space<vmem>>[vector<16xi32>], vector<16xi32>,
      %swap3A_365 = arith.constant 64 : index
      %swap3A_366 = tpu.vector_load %arg6[%swap3A_365] {strides = array<i32>} : memref<256xi32, #tpu.memory_space<vmem>>, vector<16xi32>,
      tpu.vector_store %arg6[%swap3A_365], %gather3A_364 {strides = array<i32>} : memref<256xi32, #tpu.memory_space<vmem>>, vector<16xi32>,
      %add3A_367 = arith.constant 2080 : i32
      %add3A_368 = arith.addi %add3A_331, %add3A_367 : i32
      %add3A_369 = vector.broadcast %add3A_368 : i32 to vector<16xi32>
      %add3A_370 = arith.addi %mul3A_5, %add3A_369 : vector<16xi32>
      %gather3A_371 = tpu.vector_load_idx %arg5[%add3A_370] : memref<13312xi32, #tpu.memory_space<vmem>>[vector<16xi32>], vector<16xi32>,
      %swap3A_372 = arith.constant 80 : index
      %swap3A_373 = tpu.vector_load %arg6[%swap3A_372] {strides = array<i32>} : memref<256xi32, #tpu.memory_space<vmem>>, vector<16xi32>,
      tpu.vector_store %arg6[%swap3A_372], %gather3A_371 {strides = array<i32>} : memref<256xi32, #tpu.memory_space<vmem>>, vector<16xi32>,
      %add3A_374 = arith.constant 2496 : i32
      %add3A_375 = arith.addi %add3A_331, %add3A_374 : i32
      %add3A_376 = vector.broadcast %add3A_375 : i32 to vector<16xi32>
      %add3A_377 = arith.addi %mul3A_5, %add3A_376 : vector<16xi32>
      %gather3A_378 = tpu.vector_load_idx %arg5[%add3A_377] : memref<13312xi32, #tpu.memory_space<vmem>>[vector<16xi32>], vector<16xi32>,
      %swap3A_379 = arith.constant 96 : index
      %swap3A_380 = tpu.vector_load %arg6[%swap3A_379] {strides = array<i32>} : memref<256xi32, #tpu.memory_space<vmem>>, vector<16xi32>,
      tpu.vector_store %arg6[%swap3A_379], %gather3A_378 {strides = array<i32>} : memref<256xi32, #tpu.memory_space<vmem>>, vector<16xi32>,
      %add3A_381 = arith.constant 2912 : i32
      %add3A_382 = arith.addi %add3A_331, %add3A_381 : i32
      %add3A_383 = vector.broadcast %add3A_382 : i32 to vector<16xi32>
      %add3A_384 = arith.addi %mul3A_5, %add3A_383 : vector<16xi32>
      %gather3A_385 = tpu.vector_load_idx %arg5[%add3A_384] : memref<13312xi32, #tpu.memory_space<vmem>>[vector<16xi32>], vector<16xi32>,
      %swap3A_386 = arith.constant 112 : index
      %swap3A_387 = tpu.vector_load %arg6[%swap3A_386] {strides = array<i32>} : memref<256xi32, #tpu.memory_space<vmem>>, vector<16xi32>,
      tpu.vector_store %arg6[%swap3A_386], %gather3A_385 {strides = array<i32>} : memref<256xi32, #tpu.memory_space<vmem>>, vector<16xi32>,
      %add3A_388 = arith.constant 3328 : i32
      %add3A_389 = arith.addi %add3A_331, %add3A_388 : i32
      %add3A_390 = vector.broadcast %add3A_389 : i32 to vector<16xi32>
      %add3A_391 = arith.addi %mul3A_5, %add3A_390 : vector<16xi32>
      %gather3A_392 = tpu.vector_load_idx %arg5[%add3A_391] : memref<13312xi32, #tpu.memory_space<vmem>>[vector<16xi32>], vector<16xi32>,
      %swap3A_393 = arith.constant 128 : index
      %swap3A_394 = tpu.vector_load %arg6[%swap3A_393] {strides = array<i32>} : memref<256xi32, #tpu.memory_space<vmem>>, vector<16xi32>,
      tpu.vector_store %arg6[%swap3A_393], %gather3A_392 {strides = array<i32>} : memref<256xi32, #tpu.memory_space<vmem>>, vector<16xi32>,
      %add3A_395 = arith.constant 3744 : i32
      %add3A_396 = arith.addi %add3A_331, %add3A_395 : i32
      %add3A_397 = vector.broadcast %add3A_396 : i32 to vector<16xi32>
      %add3A_398 = arith.addi %mul3A_5, %add3A_397 : vector<16xi32>
      %gather3A_399 = tpu.vector_load_idx %arg5[%add3A_398] : memref<13312xi32, #tpu.memory_space<vmem>>[vector<16xi32>], vector<16xi32>,
      %swap3A_400 = arith.constant 144 : index
      %swap3A_401 = tpu.vector_load %arg6[%swap3A_400] {strides = array<i32>} : memref<256xi32, #tpu.memory_space<vmem>>, vector<16xi32>,
      tpu.vector_store %arg6[%swap3A_400], %gather3A_399 {strides = array<i32>} : memref<256xi32, #tpu.memory_space<vmem>>, vector<16xi32>,
      %add3A_402 = arith.constant 4160 : i32
      %add3A_403 = arith.addi %add3A_331, %add3A_402 : i32
      %add3A_404 = vector.broadcast %add3A_403 : i32 to vector<16xi32>
      %add3A_405 = arith.addi %mul3A_5, %add3A_404 : vector<16xi32>
      %gather3A_406 = tpu.vector_load_idx %arg5[%add3A_405] : memref<13312xi32, #tpu.memory_space<vmem>>[vector<16xi32>], vector<16xi32>,
      %swap3A_407 = arith.constant 160 : index
      %swap3A_408 = tpu.vector_load %arg6[%swap3A_407] {strides = array<i32>} : memref<256xi32, #tpu.memory_space<vmem>>, vector<16xi32>,
      tpu.vector_store %arg6[%swap3A_407], %gather3A_406 {strides = array<i32>} : memref<256xi32, #tpu.memory_space<vmem>>, vector<16xi32>,
      %add3A_409 = arith.constant 4576 : i32
      %add3A_410 = arith.addi %add3A_331, %add3A_409 : i32
      %add3A_411 = vector.broadcast %add3A_410 : i32 to vector<16xi32>
      %add3A_412 = arith.addi %mul3A_5, %add3A_411 : vector<16xi32>
      %gather3A_413 = tpu.vector_load_idx %arg5[%add3A_412] : memref<13312xi32, #tpu.memory_space<vmem>>[vector<16xi32>], vector<16xi32>,
      %swap3A_414 = arith.constant 176 : index
      %swap3A_415 = tpu.vector_load %arg6[%swap3A_414] {strides = array<i32>} : memref<256xi32, #tpu.memory_space<vmem>>, vector<16xi32>,
      tpu.vector_store %arg6[%swap3A_414], %gather3A_413 {strides = array<i32>} : memref<256xi32, #tpu.memory_space<vmem>>, vector<16xi32>,
      %add3A_416 = arith.constant 4992 : i32
      %add3A_417 = arith.addi %add3A_331, %add3A_416 : i32
      %add3A_418 = vector.broadcast %add3A_417 : i32 to vector<16xi32>
      %add3A_419 = arith.addi %mul3A_5, %add3A_418 : vector<16xi32>
      %gather3A_420 = tpu.vector_load_idx %arg5[%add3A_419] : memref<13312xi32, #tpu.memory_space<vmem>>[vector<16xi32>], vector<16xi32>,
      %swap3A_421 = arith.constant 192 : index
      %swap3A_422 = tpu.vector_load %arg6[%swap3A_421] {strides = array<i32>} : memref<256xi32, #tpu.memory_space<vmem>>, vector<16xi32>,
      tpu.vector_store %arg6[%swap3A_421], %gather3A_420 {strides = array<i32>} : memref<256xi32, #tpu.memory_space<vmem>>, vector<16xi32>,
      %add3A_423 = arith.constant 5408 : i32
      %add3A_424 = arith.addi %add3A_331, %add3A_423 : i32
      %add3A_425 = vector.broadcast %add3A_424 : i32 to vector<16xi32>
      %add3A_426 = arith.addi %mul3A_5, %add3A_425 : vector<16xi32>
      %gather3A_427 = tpu.vector_load_idx %arg5[%add3A_426] : memref<13312xi32, #tpu.memory_space<vmem>>[vector<16xi32>], vector<16xi32>,
      %swap3A_428 = arith.constant 208 : index
      %swap3A_429 = tpu.vector_load %arg6[%swap3A_428] {strides = array<i32>} : memref<256xi32, #tpu.memory_space<vmem>>, vector<16xi32>,
      tpu.vector_store %arg6[%swap3A_428], %gather3A_427 {strides = array<i32>} : memref<256xi32, #tpu.memory_space<vmem>>, vector<16xi32>,
      %add3A_430 = arith.constant 5824 : i32
      %add3A_431 = arith.addi %add3A_331, %add3A_430 : i32
      %add3A_432 = vector.broadcast %add3A_431 : i32 to vector<16xi32>
      %add3A_433 = arith.addi %mul3A_5, %add3A_432 : vector<16xi32>
      %gather3A_434 = tpu.vector_load_idx %arg5[%add3A_433] : memref<13312xi32, #tpu.memory_space<vmem>>[vector<16xi32>], vector<16xi32>,
      %swap3A_435 = arith.constant 224 : index
      %swap3A_436 = tpu.vector_load %arg6[%swap3A_435] {strides = array<i32>} : memref<256xi32, #tpu.memory_space<vmem>>, vector<16xi32>,
      tpu.vector_store %arg6[%swap3A_435], %gather3A_434 {strides = array<i32>} : memref<256xi32, #tpu.memory_space<vmem>>, vector<16xi32>,
      %add3A_437 = arith.constant 6240 : i32
      %add3A_438 = arith.addi %add3A_331, %add3A_437 : i32
      %add3A_439 = vector.broadcast %add3A_438 : i32 to vector<16xi32>
      %add3A_440 = arith.addi %mul3A_5, %add3A_439 : vector<16xi32>
      %gather3A_441 = tpu.vector_load_idx %arg5[%add3A_440] : memref<13312xi32, #tpu.memory_space<vmem>>[vector<16xi32>], vector<16xi32>,
      %swap3A_442 = arith.constant 240 : index
      %swap3A_443 = tpu.vector_load %arg6[%swap3A_442] {strides = array<i32>} : memref<256xi32, #tpu.memory_space<vmem>>, vector<16xi32>,
      tpu.vector_store %arg6[%swap3A_442], %gather3A_441 {strides = array<i32>} : memref<256xi32, #tpu.memory_space<vmem>>, vector<16xi32>,
      %dma_start3A_444 = arith.constant 0 : i32
      %dma_start3A_445 = arith.constant 0 : i32
      %dma_start3A_446 = tpu.memref_slice %arg2[%dma_start3A_444, %dma_start3A_445] : memref<1000000x32xf32, #tpu.memory_space<hbm>> -> memref<1000000x32xf32, #tpu.memory_space<hbm>>
      tpu.enqueue_indirect_dma source(%dma_start3A_446 : memref<1000000x32xf32, #tpu.memory_space<hbm>>) target(%arg8 : memref<256x32xf32, #tpu.memory_space<vmem>>) offsets(%arg6 : memref<256xi32, #tpu.memory_space<vmem>>) semaphore(%arg12 : memref<!tpu.dma_semaphore, #tpu.memory_space<semaphore_mem>>)
      %dma_wait3A_447 = arith.constant 0 : i32
      %dma_wait3A_448 = tpu.memref_slice %arg4[%sub3A_285, %dma_wait3A_447, %mul3A_293] : memref<26x32x16384xf32, #tpu.memory_space<hbm>> -> memref<1x32x256xf32, #tpu.memory_space<hbm>>
      %dma_wait3A_449 = tpu.memref_squeeze %dma_wait3A_448 : memref<1x32x256xf32, #tpu.memory_space<hbm>> -> memref<32x256xf32, #tpu.memory_space<hbm>>
      %dma_wait3A_450 = arith.constant 0 : i32
      %dma_wait3A_451 = tpu.memref_slice %arg4[%sub3A_285, %dma_wait3A_450, %mul3A_293] : memref<26x32x16384xf32, #tpu.memory_space<hbm>> -> memref<1x32x256xf32, #tpu.memory_space<hbm>>
      %dma_wait3A_452 = tpu.memref_squeeze %dma_wait3A_451 : memref<1x32x256xf32, #tpu.memory_space<hbm>> -> memref<32x256xf32, #tpu.memory_space<hbm>>
      tpu.wait_dma2 semaphore(%arg14 : memref<!tpu.dma_semaphore, #tpu.memory_space<semaphore_mem>>) src(%arg10 : memref<32x256xf32, #tpu.memory_space<vmem>>) dst(%dma_wait3A_452 : memref<32x256xf32, #tpu.memory_space<hbm>>)
      %mul3A_453 = arith.constant 2 : i32
      %mul3A_454 = arith.muli %add3A_259, %mul3A_453 : i32
      %add3A_455 = arith.constant 1 : i32
      %add3A_456 = arith.addi %mul3A_454, %add3A_455 : i32
      %dma_wait3A_457 = arith.constant 0 : i32
      %dma_wait3A_458 = arith.constant 0 : i32
      %dma_wait3A_459 = tpu.memref_slice %arg2[%dma_wait3A_457, %dma_wait3A_458] : memref<1000000x32xf32, #tpu.memory_space<hbm>> -> memref<1000000x32xf32, #tpu.memory_space<hbm>>
      tpu.wait_indirect_dma semaphore(%arg13 : memref<!tpu.dma_semaphore, #tpu.memory_space<semaphore_mem>>) src(%dma_wait3A_459 : memref<1000000x32xf32, #tpu.memory_space<hbm>>) dst(%arg9 : memref<256x32xf32, #tpu.memory_space<vmem>>)
      %jit3A_460 = arith.constant 26 : i32
      %div3A_461 = arith.divsi %add3A_456, %jit3A_460 : i32
      %sign3A_462 = arith.constant 0 : i32
      %sign3A_463 = arith.cmpi sgt, %add3A_456, %sign3A_462 : i32
      %sign3A_464 = arith.extui %sign3A_463 : i1 to i32
      %sign3A_465 = arith.constant 0 : i32
      %sign3A_466 = arith.cmpi slt, %add3A_456, %sign3A_465 : i32
      %sign3A_467 = arith.extui %sign3A_466 : i1 to i32
      %sign3A_468 = arith.subi %sign3A_464, %sign3A_467 : i32
      %sign3A_469 = arith.constant 0 : i32
      %sign3A_470 = arith.cmpi sgt, %jit3A_460, %sign3A_469 : i32
      %sign3A_471 = arith.extui %sign3A_470 : i1 to i32
      %sign3A_472 = arith.constant 0 : i32
      %sign3A_473 = arith.cmpi slt, %jit3A_460, %sign3A_472 : i32
      %sign3A_474 = arith.extui %sign3A_473 : i1 to i32
      %sign3A_475 = arith.subi %sign3A_471, %sign3A_474 : i32
      %ne3A_476 = arith.cmpi ne, %sign3A_468, %sign3A_475 : i32
      %rem3A_477 = arith.remsi %add3A_456, %jit3A_460 : i32
      %ne3A_478 = arith.constant 0 : i32
      %ne3A_479 = arith.cmpi ne, %rem3A_477, %ne3A_478 : i32
      %and3A_480 = arith.andi %ne3A_476, %ne3A_479 : i1
      %sub3A_481 = arith.constant 1 : i32
      %sub3A_482 = arith.subi %div3A_461, %sub3A_481 : i32
      %select_n3A_483 = arith.select %and3A_480, %sub3A_482, %div3A_461 : i32
      %mul3A_484 = arith.constant 26 : i32
      %mul3A_485 = arith.muli %select_n3A_483, %mul3A_484 : i32
      %sub3A_486 = arith.subi %add3A_456, %mul3A_485 : i32
      %parallel_loop3A_487 = arith.constant 0 : i32
      %parallel_loop3A_488 = arith.constant 256 : i32
      %parallel_loop3A_489 = arith.constant 1 : i32
      scf.for %parallel_loop3A_654 = %parallel_loop3A_487 to %parallel_loop3A_488 step %parallel_loop3A_489  : i32 {
        %parallel_loop3A_655 = arith.constant 0 : i32
        %parallel_loop3A_656 = vector.broadcast %parallel_loop3A_655 : i32 to vector<16xi32>
        %parallel_loop3A_657 = arith.muli %iota3A, %parallel_loop3A_656 : vector<16xi32>
        %parallel_loop3A_658 = vector.broadcast %parallel_loop3A_654 : i32 to vector<16xi32>
        %parallel_loop3A_659 = arith.addi %parallel_loop3A_657, %parallel_loop3A_658 : vector<16xi32>
        %parallel_loop3A_660 = arith.index_cast %parallel_loop3A_654 : i32 to index
        %parallel_loop3A_661 = arith.constant 0 : index
        %parallel_loop3A_662 = tpu.vector_load %arg9[%parallel_loop3A_660, %parallel_loop3A_661] {strides = array<i32>} : memref<256x32xf32, #tpu.memory_space<vmem>>, vector<16xf32>,
        %parallel_loop3A_663 = arith.constant 0 : i32
        %parallel_loop3A_664 = vector.broadcast %parallel_loop3A_663 : i32 to vector<16xi32>
        %parallel_loop3A_665 = arith.addi %iota3A, %parallel_loop3A_664 : vector<16xi32>
        tpu.vector_store_idx %arg11[%parallel_loop3A_665, %parallel_loop3A_659], %parallel_loop3A_662 : memref<32x256xf32, #tpu.memory_space<vmem>>[vector<16xi32>, vector<16xi32>], vector<16xf32>,
        %parallel_loop3A_666 = arith.index_cast %parallel_loop3A_654 : i32 to index
        %parallel_loop3A_667 = arith.constant 16 : index
        %parallel_loop3A_668 = tpu.vector_load %arg9[%parallel_loop3A_666, %parallel_loop3A_667] {strides = array<i32>} : memref<256x32xf32, #tpu.memory_space<vmem>>, vector<16xf32>,
        %parallel_loop3A_669 = arith.constant 16 : i32
        %parallel_loop3A_670 = vector.broadcast %parallel_loop3A_669 : i32 to vector<16xi32>
        %parallel_loop3A_671 = arith.addi %iota3A, %parallel_loop3A_670 : vector<16xi32>
        tpu.vector_store_idx %arg11[%parallel_loop3A_671, %parallel_loop3A_659], %parallel_loop3A_668 : memref<32x256xf32, #tpu.memory_space<vmem>>[vector<16xi32>, vector<16xi32>], vector<16xf32>,
      } {sc.loop_unroll_factor = 16 : i64, sc.parallel_access}
      %mul3A_490 = arith.constant 2 : i32
      %mul3A_491 = arith.muli %add3A, %mul3A_490 : i32
      %add3A_492 = arith.addi %mul3A_491, %select_n3A_483 : i32
      %mul3A_493 = arith.constant 256 : i32
      %mul3A_494 = arith.muli %add3A_492, %mul3A_493 : i32
      %dma_start3A_495 = arith.constant 0 : i32
      %dma_start3A_496 = tpu.memref_slice %arg4[%sub3A_486, %dma_start3A_495, %mul3A_494] : memref<26x32x16384xf32, #tpu.memory_space<hbm>> -> memref<1x32x256xf32, #tpu.memory_space<hbm>>
      %dma_start3A_497 = tpu.memref_squeeze %dma_start3A_496 : memref<1x32x256xf32, #tpu.memory_space<hbm>> -> memref<32x256xf32, #tpu.memory_space<hbm>>
      %dma_start3A_498 = arith.constant 0 : i32
      %dma_start3A_499 = tpu.memref_slice %arg4[%sub3A_486, %dma_start3A_498, %mul3A_494] : memref<26x32x16384xf32, #tpu.memory_space<hbm>> -> memref<1x32x256xf32, #tpu.memory_space<hbm>>
      %dma_start3A_500 = tpu.memref_squeeze %dma_start3A_499 : memref<1x32x256xf32, #tpu.memory_space<hbm>> -> memref<32x256xf32, #tpu.memory_space<hbm>>
      tpu.enqueue_dma source(%arg11 : memref<32x256xf32, #tpu.memory_space<vmem>>) target(%dma_start3A_500 : memref<32x256xf32, #tpu.memory_space<hbm>>) target_semaphore(%arg15 : memref<!tpu.dma_semaphore, #tpu.memory_space<semaphore_mem>>)
      %add3A_501 = arith.constant 2 : i32
      %add3A_502 = arith.addi %add3A_456, %add3A_501 : i32
      %jit3A_503 = arith.constant 26 : i32
      %div3A_504 = arith.divsi %add3A_502, %jit3A_503 : i32
      %sign3A_505 = arith.constant 0 : i32
      %sign3A_506 = arith.cmpi sgt, %add3A_502, %sign3A_505 : i32
      %sign3A_507 = arith.extui %sign3A_506 : i1 to i32
      %sign3A_508 = arith.constant 0 : i32
      %sign3A_509 = arith.cmpi slt, %add3A_502, %sign3A_508 : i32
      %sign3A_510 = arith.extui %sign3A_509 : i1 to i32
      %sign3A_511 = arith.subi %sign3A_507, %sign3A_510 : i32
      %sign3A_512 = arith.constant 0 : i32
      %sign3A_513 = arith.cmpi sgt, %jit3A_503, %sign3A_512 : i32
      %sign3A_514 = arith.extui %sign3A_513 : i1 to i32
      %sign3A_515 = arith.constant 0 : i32
      %sign3A_516 = arith.cmpi slt, %jit3A_503, %sign3A_515 : i32
      %sign3A_517 = arith.extui %sign3A_516 : i1 to i32
      %sign3A_518 = arith.subi %sign3A_514, %sign3A_517 : i32
      %ne3A_519 = arith.cmpi ne, %sign3A_511, %sign3A_518 : i32
      %rem3A_520 = arith.remsi %add3A_502, %jit3A_503 : i32
      %ne3A_521 = arith.constant 0 : i32
      %ne3A_522 = arith.cmpi ne, %rem3A_520, %ne3A_521 : i32
      %and3A_523 = arith.andi %ne3A_519, %ne3A_522 : i1
      %sub3A_524 = arith.constant 1 : i32
      %sub3A_525 = arith.subi %div3A_504, %sub3A_524 : i32
      %select_n3A_526 = arith.select %and3A_523, %sub3A_525, %div3A_504 : i32
      %mul3A_527 = arith.constant 26 : i32
      %mul3A_528 = arith.muli %select_n3A_526, %mul3A_527 : i32
      %sub3A_529 = arith.subi %add3A_502, %mul3A_528 : i32
      %mul3A_530 = arith.constant 6656 : i32
      %mul3A_531 = arith.muli %select_n3A_526, %mul3A_530 : i32
      %add3A_532 = arith.addi %mul3A_531, %sub3A_529 : i32
      %add3A_533 = arith.constant 0 : i32
      %add3A_534 = arith.addi %add3A_532, %add3A_533 : i32
      %add3A_535 = vector.broadcast %add3A_534 : i32 to vector<16xi32>
      %add3A_536 = arith.addi %mul3A_5, %add3A_535 : vector<16xi32>
      %gather3A_537 = tpu.vector_load_idx %arg5[%add3A_536] : memref<13312xi32, #tpu.memory_space<vmem>>[vector<16xi32>], vector<16xi32>,
      %swap3A_538 = arith.constant 0 : index
      %swap3A_539 = tpu.vector_load %arg7[%swap3A_538] {strides = array<i32>} : memref<256xi32, #tpu.memory_space<vmem>>, vector<16xi32>,
      tpu.vector_store %arg7[%swap3A_538], %gather3A_537 {strides = array<i32>} : memref<256xi32, #tpu.memory_space<vmem>>, vector<16xi32>,
      %add3A_540 = arith.constant 416 : i32
      %add3A_541 = arith.addi %add3A_532, %add3A_540 : i32
      %add3A_542 = vector.broadcast %add3A_541 : i32 to vector<16xi32>
      %add3A_543 = arith.addi %mul3A_5, %add3A_542 : vector<16xi32>
      %gather3A_544 = tpu.vector_load_idx %arg5[%add3A_543] : memref<13312xi32, #tpu.memory_space<vmem>>[vector<16xi32>], vector<16xi32>,
      %swap3A_545 = arith.constant 16 : index
      %swap3A_546 = tpu.vector_load %arg7[%swap3A_545] {strides = array<i32>} : memref<256xi32, #tpu.memory_space<vmem>>, vector<16xi32>,
      tpu.vector_store %arg7[%swap3A_545], %gather3A_544 {strides = array<i32>} : memref<256xi32, #tpu.memory_space<vmem>>, vector<16xi32>,
      %add3A_547 = arith.constant 832 : i32
      %add3A_548 = arith.addi %add3A_532, %add3A_547 : i32
      %add3A_549 = vector.broadcast %add3A_548 : i32 to vector<16xi32>
      %add3A_550 = arith.addi %mul3A_5, %add3A_549 : vector<16xi32>
      %gather3A_551 = tpu.vector_load_idx %arg5[%add3A_550] : memref<13312xi32, #tpu.memory_space<vmem>>[vector<16xi32>], vector<16xi32>,
      %swap3A_552 = arith.constant 32 : index
      %swap3A_553 = tpu.vector_load %arg7[%swap3A_552] {strides = array<i32>} : memref<256xi32, #tpu.memory_space<vmem>>, vector<16xi32>,
      tpu.vector_store %arg7[%swap3A_552], %gather3A_551 {strides = array<i32>} : memref<256xi32, #tpu.memory_space<vmem>>, vector<16xi32>,
      %add3A_554 = arith.constant 1248 : i32
      %add3A_555 = arith.addi %add3A_532, %add3A_554 : i32
      %add3A_556 = vector.broadcast %add3A_555 : i32 to vector<16xi32>
      %add3A_557 = arith.addi %mul3A_5, %add3A_556 : vector<16xi32>
      %gather3A_558 = tpu.vector_load_idx %arg5[%add3A_557] : memref<13312xi32, #tpu.memory_space<vmem>>[vector<16xi32>], vector<16xi32>,
      %swap3A_559 = arith.constant 48 : index
      %swap3A_560 = tpu.vector_load %arg7[%swap3A_559] {strides = array<i32>} : memref<256xi32, #tpu.memory_space<vmem>>, vector<16xi32>,
      tpu.vector_store %arg7[%swap3A_559], %gather3A_558 {strides = array<i32>} : memref<256xi32, #tpu.memory_space<vmem>>, vector<16xi32>,
      %add3A_561 = arith.constant 1664 : i32
      %add3A_562 = arith.addi %add3A_532, %add3A_561 : i32
      %add3A_563 = vector.broadcast %add3A_562 : i32 to vector<16xi32>
      %add3A_564 = arith.addi %mul3A_5, %add3A_563 : vector<16xi32>
      %gather3A_565 = tpu.vector_load_idx %arg5[%add3A_564] : memref<13312xi32, #tpu.memory_space<vmem>>[vector<16xi32>], vector<16xi32>,
      %swap3A_566 = arith.constant 64 : index
      %swap3A_567 = tpu.vector_load %arg7[%swap3A_566] {strides = array<i32>} : memref<256xi32, #tpu.memory_space<vmem>>, vector<16xi32>,
      tpu.vector_store %arg7[%swap3A_566], %gather3A_565 {strides = array<i32>} : memref<256xi32, #tpu.memory_space<vmem>>, vector<16xi32>,
      %add3A_568 = arith.constant 2080 : i32
      %add3A_569 = arith.addi %add3A_532, %add3A_568 : i32
      %add3A_570 = vector.broadcast %add3A_569 : i32 to vector<16xi32>
      %add3A_571 = arith.addi %mul3A_5, %add3A_570 : vector<16xi32>
      %gather3A_572 = tpu.vector_load_idx %arg5[%add3A_571] : memref<13312xi32, #tpu.memory_space<vmem>>[vector<16xi32>], vector<16xi32>,
      %swap3A_573 = arith.constant 80 : index
      %swap3A_574 = tpu.vector_load %arg7[%swap3A_573] {strides = array<i32>} : memref<256xi32, #tpu.memory_space<vmem>>, vector<16xi32>,
      tpu.vector_store %arg7[%swap3A_573], %gather3A_572 {strides = array<i32>} : memref<256xi32, #tpu.memory_space<vmem>>, vector<16xi32>,
      %add3A_575 = arith.constant 2496 : i32
      %add3A_576 = arith.addi %add3A_532, %add3A_575 : i32
      %add3A_577 = vector.broadcast %add3A_576 : i32 to vector<16xi32>
      %add3A_578 = arith.addi %mul3A_5, %add3A_577 : vector<16xi32>
      %gather3A_579 = tpu.vector_load_idx %arg5[%add3A_578] : memref<13312xi32, #tpu.memory_space<vmem>>[vector<16xi32>], vector<16xi32>,
      %swap3A_580 = arith.constant 96 : index
      %swap3A_581 = tpu.vector_load %arg7[%swap3A_580] {strides = array<i32>} : memref<256xi32, #tpu.memory_space<vmem>>, vector<16xi32>,
      tpu.vector_store %arg7[%swap3A_580], %gather3A_579 {strides = array<i32>} : memref<256xi32, #tpu.memory_space<vmem>>, vector<16xi32>,
      %add3A_582 = arith.constant 2912 : i32
      %add3A_583 = arith.addi %add3A_532, %add3A_582 : i32
      %add3A_584 = vector.broadcast %add3A_583 : i32 to vector<16xi32>
      %add3A_585 = arith.addi %mul3A_5, %add3A_584 : vector<16xi32>
      %gather3A_586 = tpu.vector_load_idx %arg5[%add3A_585] : memref<13312xi32, #tpu.memory_space<vmem>>[vector<16xi32>], vector<16xi32>,
      %swap3A_587 = arith.constant 112 : index
      %swap3A_588 = tpu.vector_load %arg7[%swap3A_587] {strides = array<i32>} : memref<256xi32, #tpu.memory_space<vmem>>, vector<16xi32>,
      tpu.vector_store %arg7[%swap3A_587], %gather3A_586 {strides = array<i32>} : memref<256xi32, #tpu.memory_space<vmem>>, vector<16xi32>,
      %add3A_589 = arith.constant 3328 : i32
      %add3A_590 = arith.addi %add3A_532, %add3A_589 : i32
      %add3A_591 = vector.broadcast %add3A_590 : i32 to vector<16xi32>
      %add3A_592 = arith.addi %mul3A_5, %add3A_591 : vector<16xi32>
      %gather3A_593 = tpu.vector_load_idx %arg5[%add3A_592] : memref<13312xi32, #tpu.memory_space<vmem>>[vector<16xi32>], vector<16xi32>,
      %swap3A_594 = arith.constant 128 : index
      %swap3A_595 = tpu.vector_load %arg7[%swap3A_594] {strides = array<i32>} : memref<256xi32, #tpu.memory_space<vmem>>, vector<16xi32>,
      tpu.vector_store %arg7[%swap3A_594], %gather3A_593 {strides = array<i32>} : memref<256xi32, #tpu.memory_space<vmem>>, vector<16xi32>,
      %add3A_596 = arith.constant 3744 : i32
      %add3A_597 = arith.addi %add3A_532, %add3A_596 : i32
      %add3A_598 = vector.broadcast %add3A_597 : i32 to vector<16xi32>
      %add3A_599 = arith.addi %mul3A_5, %add3A_598 : vector<16xi32>
      %gather3A_600 = tpu.vector_load_idx %arg5[%add3A_599] : memref<13312xi32, #tpu.memory_space<vmem>>[vector<16xi32>], vector<16xi32>,
      %swap3A_601 = arith.constant 144 : index
      %swap3A_602 = tpu.vector_load %arg7[%swap3A_601] {strides = array<i32>} : memref<256xi32, #tpu.memory_space<vmem>>, vector<16xi32>,
      tpu.vector_store %arg7[%swap3A_601], %gather3A_600 {strides = array<i32>} : memref<256xi32, #tpu.memory_space<vmem>>, vector<16xi32>,
      %add3A_603 = arith.constant 4160 : i32
      %add3A_604 = arith.addi %add3A_532, %add3A_603 : i32
      %add3A_605 = vector.broadcast %add3A_604 : i32 to vector<16xi32>
      %add3A_606 = arith.addi %mul3A_5, %add3A_605 : vector<16xi32>
      %gather3A_607 = tpu.vector_load_idx %arg5[%add3A_606] : memref<13312xi32, #tpu.memory_space<vmem>>[vector<16xi32>], vector<16xi32>,
      %swap3A_608 = arith.constant 160 : index
      %swap3A_609 = tpu.vector_load %arg7[%swap3A_608] {strides = array<i32>} : memref<256xi32, #tpu.memory_space<vmem>>, vector<16xi32>,
      tpu.vector_store %arg7[%swap3A_608], %gather3A_607 {strides = array<i32>} : memref<256xi32, #tpu.memory_space<vmem>>, vector<16xi32>,
      %add3A_610 = arith.constant 4576 : i32
      %add3A_611 = arith.addi %add3A_532, %add3A_610 : i32
      %add3A_612 = vector.broadcast %add3A_611 : i32 to vector<16xi32>
      %add3A_613 = arith.addi %mul3A_5, %add3A_612 : vector<16xi32>
      %gather3A_614 = tpu.vector_load_idx %arg5[%add3A_613] : memref<13312xi32, #tpu.memory_space<vmem>>[vector<16xi32>], vector<16xi32>,
      %swap3A_615 = arith.constant 176 : index
      %swap3A_616 = tpu.vector_load %arg7[%swap3A_615] {strides = array<i32>} : memref<256xi32, #tpu.memory_space<vmem>>, vector<16xi32>,
      tpu.vector_store %arg7[%swap3A_615], %gather3A_614 {strides = array<i32>} : memref<256xi32, #tpu.memory_space<vmem>>, vector<16xi32>,
      %add3A_617 = arith.constant 4992 : i32
      %add3A_618 = arith.addi %add3A_532, %add3A_617 : i32
      %add3A_619 = vector.broadcast %add3A_618 : i32 to vector<16xi32>
      %add3A_620 = arith.addi %mul3A_5, %add3A_619 : vector<16xi32>
      %gather3A_621 = tpu.vector_load_idx %arg5[%add3A_620] : memref<13312xi32, #tpu.memory_space<vmem>>[vector<16xi32>], vector<16xi32>,
      %swap3A_622 = arith.constant 192 : index
      %swap3A_623 = tpu.vector_load %arg7[%swap3A_622] {strides = array<i32>} : memref<256xi32, #tpu.memory_space<vmem>>, vector<16xi32>,
      tpu.vector_store %arg7[%swap3A_622], %gather3A_621 {strides = array<i32>} : memref<256xi32, #tpu.memory_space<vmem>>, vector<16xi32>,
      %add3A_624 = arith.constant 5408 : i32
      %add3A_625 = arith.addi %add3A_532, %add3A_624 : i32
      %add3A_626 = vector.broadcast %add3A_625 : i32 to vector<16xi32>
      %add3A_627 = arith.addi %mul3A_5, %add3A_626 : vector<16xi32>
      %gather3A_628 = tpu.vector_load_idx %arg5[%add3A_627] : memref<13312xi32, #tpu.memory_space<vmem>>[vector<16xi32>], vector<16xi32>,
      %swap3A_629 = arith.constant 208 : index
      %swap3A_630 = tpu.vector_load %arg7[%swap3A_629] {strides = array<i32>} : memref<256xi32, #tpu.memory_space<vmem>>, vector<16xi32>,
      tpu.vector_store %arg7[%swap3A_629], %gather3A_628 {strides = array<i32>} : memref<256xi32, #tpu.memory_space<vmem>>, vector<16xi32>,
      %add3A_631 = arith.constant 5824 : i32
      %add3A_632 = arith.addi %add3A_532, %add3A_631 : i32
      %add3A_633 = vector.broadcast %add3A_632 : i32 to vector<16xi32>
      %add3A_634 = arith.addi %mul3A_5, %add3A_633 : vector<16xi32>
      %gather3A_635 = tpu.vector_load_idx %arg5[%add3A_634] : memref<13312xi32, #tpu.memory_space<vmem>>[vector<16xi32>], vector<16xi32>,
      %swap3A_636 = arith.constant 224 : index
      %swap3A_637 = tpu.vector_load %arg7[%swap3A_636] {strides = array<i32>} : memref<256xi32, #tpu.memory_space<vmem>>, vector<16xi32>,
      tpu.vector_store %arg7[%swap3A_636], %gather3A_635 {strides = array<i32>} : memref<256xi32, #tpu.memory_space<vmem>>, vector<16xi32>,
      %add3A_638 = arith.constant 6240 : i32
      %add3A_639 = arith.addi %add3A_532, %add3A_638 : i32
      %add3A_640 = vector.broadcast %add3A_639 : i32 to vector<16xi32>
      %add3A_641 = arith.addi %mul3A_5, %add3A_640 : vector<16xi32>
      %gather3A_642 = tpu.vector_load_idx %arg5[%add3A_641] : memref<13312xi32, #tpu.memory_space<vmem>>[vector<16xi32>], vector<16xi32>,
      %swap3A_643 = arith.constant 240 : index
      %swap3A_644 = tpu.vector_load %arg7[%swap3A_643] {strides = array<i32>} : memref<256xi32, #tpu.memory_space<vmem>>, vector<16xi32>,
      tpu.vector_store %arg7[%swap3A_643], %gather3A_642 {strides = array<i32>} : memref<256xi32, #tpu.memory_space<vmem>>, vector<16xi32>,
      %dma_start3A_645 = arith.constant 0 : i32
      %dma_start3A_646 = arith.constant 0 : i32
      %dma_start3A_647 = tpu.memref_slice %arg2[%dma_start3A_645, %dma_start3A_646] : memref<1000000x32xf32, #tpu.memory_space<hbm>> -> memref<1000000x32xf32, #tpu.memory_space<hbm>>
      tpu.enqueue_indirect_dma source(%dma_start3A_647 : memref<1000000x32xf32, #tpu.memory_space<hbm>>) target(%arg9 : memref<256x32xf32, #tpu.memory_space<vmem>>) offsets(%arg7 : memref<256xi32, #tpu.memory_space<vmem>>) semaphore(%arg13 : memref<!tpu.dma_semaphore, #tpu.memory_space<semaphore_mem>>)
      %dma_wait3A_648 = arith.constant 0 : i32
      %dma_wait3A_649 = tpu.memref_slice %arg4[%sub3A_486, %dma_wait3A_648, %mul3A_494] : memref<26x32x16384xf32, #tpu.memory_space<hbm>> -> memref<1x32x256xf32, #tpu.memory_space<hbm>>
      %dma_wait3A_650 = tpu.memref_squeeze %dma_wait3A_649 : memref<1x32x256xf32, #tpu.memory_space<hbm>> -> memref<32x256xf32, #tpu.memory_space<hbm>>
      %dma_wait3A_651 = arith.constant 0 : i32
      %dma_wait3A_652 = tpu.memref_slice %arg4[%sub3A_486, %dma_wait3A_651, %mul3A_494] : memref<26x32x16384xf32, #tpu.memory_space<hbm>> -> memref<1x32x256xf32, #tpu.memory_space<hbm>>
      %dma_wait3A_653 = tpu.memref_squeeze %dma_wait3A_652 : memref<1x32x256xf32, #tpu.memory_space<hbm>> -> memref<32x256xf32, #tpu.memory_space<hbm>>
      tpu.wait_dma2 semaphore(%arg15 : memref<!tpu.dma_semaphore, #tpu.memory_space<semaphore_mem>>) src(%arg11 : memref<32x256xf32, #tpu.memory_space<vmem>>) dst(%dma_wait3A_653 : memref<32x256xf32, #tpu.memory_space<hbm>>)
    }
    %scan3A_204 = arith.constant 25 : i32
    %dma_wait3A = arith.constant 0 : i32
    %dma_wait3A_205 = arith.constant 0 : i32
    %dma_wait3A_206 = tpu.memref_slice %arg2[%dma_wait3A, %dma_wait3A_205] : memref<1000000x32xf32, #tpu.memory_space<hbm>> -> memref<1000000x32xf32, #tpu.memory_space<hbm>>
    tpu.wait_indirect_dma semaphore(%arg12 : memref<!tpu.dma_semaphore, #tpu.memory_space<semaphore_mem>>) src(%dma_wait3A_206 : memref<1000000x32xf32, #tpu.memory_space<hbm>>) dst(%arg8 : memref<256x32xf32, #tpu.memory_space<vmem>>)
    %parallel_loop3A = arith.constant 0 : i32
    %parallel_loop3A_207 = arith.constant 256 : i32
    %parallel_loop3A_208 = arith.constant 1 : i32
    scf.for %parallel_loop3A_255 = %parallel_loop3A to %parallel_loop3A_207 step %parallel_loop3A_208  : i32 {
      %parallel_loop3A_256 = arith.constant 0 : i32
      %parallel_loop3A_257 = vector.broadcast %parallel_loop3A_256 : i32 to vector<16xi32>
      %parallel_loop3A_258 = arith.muli %iota3A, %parallel_loop3A_257 : vector<16xi32>
      %parallel_loop3A_259 = vector.broadcast %parallel_loop3A_255 : i32 to vector<16xi32>
      %parallel_loop3A_260 = arith.addi %parallel_loop3A_258, %parallel_loop3A_259 : vector<16xi32>
      %parallel_loop3A_261 = arith.index_cast %parallel_loop3A_255 : i32 to index
      %parallel_loop3A_262 = arith.constant 0 : index
      %parallel_loop3A_263 = tpu.vector_load %arg8[%parallel_loop3A_261, %parallel_loop3A_262] {strides = array<i32>} : memref<256x32xf32, #tpu.memory_space<vmem>>, vector<16xf32>,
      %parallel_loop3A_264 = arith.constant 0 : i32
      %parallel_loop3A_265 = vector.broadcast %parallel_loop3A_264 : i32 to vector<16xi32>
      %parallel_loop3A_266 = arith.addi %iota3A, %parallel_loop3A_265 : vector<16xi32>
      tpu.vector_store_idx %arg10[%parallel_loop3A_266, %parallel_loop3A_260], %parallel_loop3A_263 : memref<32x256xf32, #tpu.memory_space<vmem>>[vector<16xi32>, vector<16xi32>], vector<16xf32>,
      %parallel_loop3A_267 = arith.index_cast %parallel_loop3A_255 : i32 to index
      %parallel_loop3A_268 = arith.constant 16 : index
      %parallel_loop3A_269 = tpu.vector_load %arg8[%parallel_loop3A_267, %parallel_loop3A_268] {strides = array<i32>} : memref<256x32xf32, #tpu.memory_space<vmem>>, vector<16xf32>,
      %parallel_loop3A_270 = arith.constant 16 : i32
      %parallel_loop3A_271 = vector.broadcast %parallel_loop3A_270 : i32 to vector<16xi32>
      %parallel_loop3A_272 = arith.addi %iota3A, %parallel_loop3A_271 : vector<16xi32>
      tpu.vector_store_idx %arg10[%parallel_loop3A_272, %parallel_loop3A_260], %parallel_loop3A_269 : memref<32x256xf32, #tpu.memory_space<vmem>>[vector<16xi32>, vector<16xi32>], vector<16xf32>,
    } {sc.loop_unroll_factor = 16 : i64, sc.parallel_access}
    %mul3A_209 = arith.constant 2 : i32
    %mul3A_210 = arith.muli %add3A, %mul3A_209 : i32
    %add3A_211 = arith.constant 1 : i32
    %add3A_212 = arith.addi %mul3A_210, %add3A_211 : i32
    %mul3A_213 = arith.constant 256 : i32
    %mul3A_214 = arith.muli %add3A_212, %mul3A_213 : i32
    %dma_start3A_215 = arith.constant 24 : i32
    %dma_start3A_216 = arith.constant 0 : i32
    %dma_start3A_217 = tpu.memref_slice %arg4[%dma_start3A_215, %dma_start3A_216, %mul3A_214] : memref<26x32x16384xf32, #tpu.memory_space<hbm>> -> memref<1x32x256xf32, #tpu.memory_space<hbm>>
    %dma_start3A_218 = tpu.memref_squeeze %dma_start3A_217 : memref<1x32x256xf32, #tpu.memory_space<hbm>> -> memref<32x256xf32, #tpu.memory_space<hbm>>
    %dma_start3A_219 = arith.constant 0 : i32
    %dma_start3A_220 = tpu.memref_slice %arg4[%dma_start3A_215, %dma_start3A_219, %mul3A_214] : memref<26x32x16384xf32, #tpu.memory_space<hbm>> -> memref<1x32x256xf32, #tpu.memory_space<hbm>>
    %dma_start3A_221 = tpu.memref_squeeze %dma_start3A_220 : memref<1x32x256xf32, #tpu.memory_space<hbm>> -> memref<32x256xf32, #tpu.memory_space<hbm>>
    tpu.enqueue_dma source(%arg10 : memref<32x256xf32, #tpu.memory_space<vmem>>) target(%dma_start3A_221 : memref<32x256xf32, #tpu.memory_space<hbm>>) target_semaphore(%arg14 : memref<!tpu.dma_semaphore, #tpu.memory_space<semaphore_mem>>)
    %dma_wait3A_222 = arith.constant 24 : i32
    %dma_wait3A_223 = arith.constant 0 : i32
    %dma_wait3A_224 = tpu.memref_slice %arg4[%dma_wait3A_222, %dma_wait3A_223, %mul3A_214] : memref<26x32x16384xf32, #tpu.memory_space<hbm>> -> memref<1x32x256xf32, #tpu.memory_space<hbm>>
    %dma_wait3A_225 = tpu.memref_squeeze %dma_wait3A_224 : memref<1x32x256xf32, #tpu.memory_space<hbm>> -> memref<32x256xf32, #tpu.memory_space<hbm>>
    %dma_wait3A_226 = arith.constant 0 : i32
    %dma_wait3A_227 = tpu.memref_slice %arg4[%dma_wait3A_222, %dma_wait3A_226, %mul3A_214] : memref<26x32x16384xf32, #tpu.memory_space<hbm>> -> memref<1x32x256xf32, #tpu.memory_space<hbm>>
    %dma_wait3A_228 = tpu.memref_squeeze %dma_wait3A_227 : memref<1x32x256xf32, #tpu.memory_space<hbm>> -> memref<32x256xf32, #tpu.memory_space<hbm>>
    tpu.wait_dma2 semaphore(%arg14 : memref<!tpu.dma_semaphore, #tpu.memory_space<semaphore_mem>>) src(%arg10 : memref<32x256xf32, #tpu.memory_space<vmem>>) dst(%dma_wait3A_228 : memref<32x256xf32, #tpu.memory_space<hbm>>)
    %dma_wait3A_229 = arith.constant 0 : i32
    %dma_wait3A_230 = arith.constant 0 : i32
    %dma_wait3A_231 = tpu.memref_slice %arg2[%dma_wait3A_229, %dma_wait3A_230] : memref<1000000x32xf32, #tpu.memory_space<hbm>> -> memref<1000000x32xf32, #tpu.memory_space<hbm>>
    tpu.wait_indirect_dma semaphore(%arg13 : memref<!tpu.dma_semaphore, #tpu.memory_space<semaphore_mem>>) src(%dma_wait3A_231 : memref<1000000x32xf32, #tpu.memory_space<hbm>>) dst(%arg9 : memref<256x32xf32, #tpu.memory_space<vmem>>)
    %parallel_loop3A_232 = arith.constant 0 : i32
    %parallel_loop3A_233 = arith.constant 256 : i32
    %parallel_loop3A_234 = arith.constant 1 : i32
    scf.for %parallel_loop3A_255 = %parallel_loop3A_232 to %parallel_loop3A_233 step %parallel_loop3A_234  : i32 {
      %parallel_loop3A_256 = arith.constant 0 : i32
      %parallel_loop3A_257 = vector.broadcast %parallel_loop3A_256 : i32 to vector<16xi32>
      %parallel_loop3A_258 = arith.muli %iota3A, %parallel_loop3A_257 : vector<16xi32>
      %parallel_loop3A_259 = vector.broadcast %parallel_loop3A_255 : i32 to vector<16xi32>
      %parallel_loop3A_260 = arith.addi %parallel_loop3A_258, %parallel_loop3A_259 : vector<16xi32>
      %parallel_loop3A_261 = arith.index_cast %parallel_loop3A_255 : i32 to index
      %parallel_loop3A_262 = arith.constant 0 : index
      %parallel_loop3A_263 = tpu.vector_load %arg9[%parallel_loop3A_261, %parallel_loop3A_262] {strides = array<i32>} : memref<256x32xf32, #tpu.memory_space<vmem>>, vector<16xf32>,
      %parallel_loop3A_264 = arith.constant 0 : i32
      %parallel_loop3A_265 = vector.broadcast %parallel_loop3A_264 : i32 to vector<16xi32>
      %parallel_loop3A_266 = arith.addi %iota3A, %parallel_loop3A_265 : vector<16xi32>
      tpu.vector_store_idx %arg11[%parallel_loop3A_266, %parallel_loop3A_260], %parallel_loop3A_263 : memref<32x256xf32, #tpu.memory_space<vmem>>[vector<16xi32>, vector<16xi32>], vector<16xf32>,
      %parallel_loop3A_267 = arith.index_cast %parallel_loop3A_255 : i32 to index
      %parallel_loop3A_268 = arith.constant 16 : index
      %parallel_loop3A_269 = tpu.vector_load %arg9[%parallel_loop3A_267, %parallel_loop3A_268] {strides = array<i32>} : memref<256x32xf32, #tpu.memory_space<vmem>>, vector<16xf32>,
      %parallel_loop3A_270 = arith.constant 16 : i32
      %parallel_loop3A_271 = vector.broadcast %parallel_loop3A_270 : i32 to vector<16xi32>
      %parallel_loop3A_272 = arith.addi %iota3A, %parallel_loop3A_271 : vector<16xi32>
      tpu.vector_store_idx %arg11[%parallel_loop3A_272, %parallel_loop3A_260], %parallel_loop3A_269 : memref<32x256xf32, #tpu.memory_space<vmem>>[vector<16xi32>, vector<16xi32>], vector<16xf32>,
    } {sc.loop_unroll_factor = 16 : i64, sc.parallel_access}
    %mul3A_235 = arith.constant 2 : i32
    %mul3A_236 = arith.muli %add3A, %mul3A_235 : i32
    %add3A_237 = arith.constant 1 : i32
    %add3A_238 = arith.addi %mul3A_236, %add3A_237 : i32
    %mul3A_239 = arith.constant 256 : i32
    %mul3A_240 = arith.muli %add3A_238, %mul3A_239 : i32
    %dma_start3A_241 = arith.constant 25 : i32
    %dma_start3A_242 = arith.constant 0 : i32
    %dma_start3A_243 = tpu.memref_slice %arg4[%dma_start3A_241, %dma_start3A_242, %mul3A_240] : memref<26x32x16384xf32, #tpu.memory_space<hbm>> -> memref<1x32x256xf32, #tpu.memory_space<hbm>>
    %dma_start3A_244 = tpu.memref_squeeze %dma_start3A_243 : memref<1x32x256xf32, #tpu.memory_space<hbm>> -> memref<32x256xf32, #tpu.memory_space<hbm>>
    %dma_start3A_245 = arith.constant 0 : i32
    %dma_start3A_246 = tpu.memref_slice %arg4[%dma_start3A_241, %dma_start3A_245, %mul3A_240] : memref<26x32x16384xf32, #tpu.memory_space<hbm>> -> memref<1x32x256xf32, #tpu.memory_space<hbm>>
    %dma_start3A_247 = tpu.memref_squeeze %dma_start3A_246 : memref<1x32x256xf32, #tpu.memory_space<hbm>> -> memref<32x256xf32, #tpu.memory_space<hbm>>
    tpu.enqueue_dma source(%arg11 : memref<32x256xf32, #tpu.memory_space<vmem>>) target(%dma_start3A_247 : memref<32x256xf32, #tpu.memory_space<hbm>>) target_semaphore(%arg15 : memref<!tpu.dma_semaphore, #tpu.memory_space<semaphore_mem>>)
    %dma_wait3A_248 = arith.constant 25 : i32
    %dma_wait3A_249 = arith.constant 0 : i32
    %dma_wait3A_250 = tpu.memref_slice %arg4[%dma_wait3A_248, %dma_wait3A_249, %mul3A_240] : memref<26x32x16384xf32, #tpu.memory_space<hbm>> -> memref<1x32x256xf32, #tpu.memory_space<hbm>>
    %dma_wait3A_251 = tpu.memref_squeeze %dma_wait3A_250 : memref<1x32x256xf32, #tpu.memory_space<hbm>> -> memref<32x256xf32, #tpu.memory_space<hbm>>
    %dma_wait3A_252 = arith.constant 0 : i32
    %dma_wait3A_253 = tpu.memref_slice %arg4[%dma_wait3A_248, %dma_wait3A_252, %mul3A_240] : memref<26x32x16384xf32, #tpu.memory_space<hbm>> -> memref<1x32x256xf32, #tpu.memory_space<hbm>>
    %dma_wait3A_254 = tpu.memref_squeeze %dma_wait3A_253 : memref<1x32x256xf32, #tpu.memory_space<hbm>> -> memref<32x256xf32, #tpu.memory_space<hbm>>
    tpu.wait_dma2 semaphore(%arg15 : memref<!tpu.dma_semaphore, #tpu.memory_space<semaphore_mem>>) src(%arg11 : memref<32x256xf32, #tpu.memory_space<vmem>>) dst(%dma_wait3A_254 : memref<32x256xf32, #tpu.memory_space<hbm>>)
    return
  }
}

</mosaic_0001>

<sc_bundles>
// kernel: kernel.3.cloned.1.call-start
scs
__scs_entry_jumppad:
0x0: {  	(pc) =	sbr.rel $0x88, $3  }
0x1: {  	(tag) =	ssettag $0x0;
	lr =	simm.s32 $0x1  }
0x2: {  	[smem:$0x3F9F] =	sst lr;
	_ =	strace $0xD0000000  }
0x3: {  	_ = 	snop  }
0x4: {  	_ = 	snop  }
0x5: {  	_ = 	snop  }
0x6: {  	_ = 	snop  }
0x7: {  	_ = 	snop  }
__scs_overlays_trampoline_lowered:
0x8: {  	[smem:$0x3FAE] =	sst s0  }
0x9: {  	[smem:$0x3FAF] =	sst s1  }
0xa: {  	[smem:$0x3FB0] =	sst s2  }
0xb: {  	[smem:$0x3FB1] =	sst s3  }
0xc: {  	[smem:$0x3FB2] =	sst s4  }
0xd: {  	[smem:$0x3FB3] =	sst s5  }
0xe: {  	[smem:$0x3FB4] =	sst s6  }
0xf: {  	[smem:$0x3FB5] =	sst s7  }
0x10: {  	[smem:$0x3FB6] =	sst s8  }
0x11: {  	[smem:$0x3FB7] =	sst s9;
	s0 =	simm.s32 @!p0 $0x0  }
0x12: {  	s1 =	sld [smem:$0x3F9D];
	s0 =	simm.s32 @p0 $0x1  }
0x13: {  	[smem:$0x3FB8] =	sst s0;
	s0 =	simm.s32 @!p1 $0x0  }
0x14: {  	s2 =	sld [smem:$0x3F9C];
	s0 =	simm.s32 @p1 $0x1  }
0x15: {  	[smem:$0x3FB9] =	sst s0;
	s0 =	simm.s32 @!p2 $0x0  }
0x16: {  	s3 =	sld [smem:$0x3FDB];
	s0 =	simm.s32 @p2 $0x1  }
0x17: {  	s4 =	simm.s32 $0x1BF5;
	[smem:$0x3FBB] =	sst s0  }
0x18: {  	s0 =	sld [smem:$0x3F9E];
	_ =	swait.ge [sflag:s4], $0x0  }
0x19: {  	s7 =	sld [smem:$0x3F9F]  }
0x1a: {  	s8 =	sadd.s32 $0xFFFFE003, lr  }
0x1b: {  	s9 =	sadd.s32 $0xFFFFFEF7, lr;
	s5 =	simm.s32 $0xFFFFFFFF;
	p2 =	slt.u32 s8, $0xFFFFF086  }
0x1c: {  	p1 =	slt.u32 s9, $0xF7A;
	s5 =	simm.s32 @!p2 $0x0  }
0x1d: {  	s5 =	simm.s32 @p1 $0x1;
	p0 =	seq.s32 s7, s2  }
0x1e: {  	s7 =	smul.u32 @!p0 $0xF7A, s2;
	p2 =	seq.s32 @!p0 s5, $0x0  }
0x1f: {  	s9 =	smul.u32 $0xF7A, s1;
	s8 =	simm.s32 @!p0 $0x1BF5;
	p2 =	por !p2, p0  }
0x20: {  	[sflag:s8] =	ssyncset.s32 @!p0 $0xFFFFF086;
	s6 =	sadd.s32 @!p0 s3, s7;
	s7 =	simm.s32 @!p0 $0x108  }
0x21: {  	s3 =	sadd.s32 s3, s9;
	s6 =	sadd.s32 @!p0 $0x88, s6;
	s7 =	simm.s32 @p2 $0x1082  }
0x22: {  	[simem:s7], [sflag:s8] =	dma.local @!p0 [hbm:s6], $0xF7A  }
0x23: {  	s9 =	sor.u32 $0xD0000000, s2;
	s6 =	simm.s32 $0x108;
	_ =	swait.ge @!p0 [sflag:s8], $0x0  }
0x24: {  	s3 =	sadd.s32 $0x88, s3;
	s6 =	simm.s32 @!p1 $0x1082;
	[sflag:s4] =	ssyncset.s32 $0xFFFFF086  }
0x25: {  	[simem:s6], [sflag:s4] =	dma.local [hbm:s3], $0xF7A  }
0x26: {  	[smem:$0x3F9F] =	sst s1;
	(tag) =	ssettag s2;
	_ =	strace s9  }
0x27: {  	s1 =	sld [smem:$0x3FAF]  }
0x28: {  	s2 =	sld [smem:$0x3FB0]  }
0x29: {  	s4 =	sld [smem:$0x3FB2]  }
0x2a: {  	p0 =	seq.s32 s5, $0x0;
	s5 =	sld [smem:$0x3FB3]  }
0x2b: {  	s6 =	sld [smem:$0x3FB4]  }
0x2c: {  	s7 =	sld [smem:$0x3FB5]  }
0x2d: {  	s3 =	simm.s32 $0x108;
	s8 =	sld [smem:$0x3FB6]  }
0x2e: {  	s3 =	simm.s32 @!p0 $0x1082;
	s9 =	sld [smem:$0x3FB7]  }
0x2f: {  	lr =	sadd.s32 s0, s3;
	s0 =	sld [smem:$0x3FAE]  }
0x30: {  	s3 =	sld [smem:$0x3FB1]  }
0x31: {  	[smem:$0x3FBA] =	sst s10  }
0x32: {  	s10 =	sld [smem:$0x3FB8];
	_ =	sdelay $0x3  }
0x33: {  	p0 =	seq.s32 s10, $0x1;
	s10 =	sld [smem:$0x3FBA];
	_ =	sdelay $0x3  }
0x34: {  	[smem:$0x3FBA] =	sst s10  }
0x35: {  	s10 =	sld [smem:$0x3FB9];
	_ =	sdelay $0x3  }
0x36: {  	p1 =	seq.s32 s10, $0x1;
	s10 =	sld [smem:$0x3FBA];
	_ =	sdelay $0x3  }
0x37: {  	[smem:$0x3FBA] =	sst s10  }
0x38: {  	s10 =	sld [smem:$0x3FBB]  }
0x39: {  	_ = 	snop;
	(pc) =	sbr.ind lr, $3  }
0x3a: {  	_ = 	snop  }
0x3b: {  	_ = 	snop  }
0x3c: {  	p2 =	seq.s32 s10, $0x1;
	s10 =	sld [smem:$0x3FBA]  }
0x3d: {  	_ =	shalt  }
0x3e: {  	_ =	shalt  }
0x3f: {  	_ =	shalt  }
0x40: {  	_ =	shalt  }
0x41: {  	_ =	shalt  }
0x42: {  	_ =	shalt  }
0x43: {  	_ =	shalt  }
0x44: {  	_ =	shalt  }
0x45: {  	_ =	shalt  }
0x46: {  	_ =	shalt  }
0x47: {  	_ =	shalt  }
0x48: {  	_ =	shalt  }
0x49: {  	_ =	shalt  }
0x4a: {  	_ =	shalt  }
0x4b: {  	_ =	shalt  }
0x4c: {  	_ =	shalt  }
0x4d: {  	_ =	shalt  }
0x4e: {  	_ =	shalt  }
0x4f: {  	_ =	shalt  }
0x50: {  	_ =	shalt  }
0x51: {  	_ =	shalt  }
0x52: {  	_ =	shalt  }
0x53: {  	_ =	shalt  }
0x54: {  	_ =	shalt  }
0x55: {  	_ =	shalt  }
0x56: {  	_ =	shalt  }
0x57: {  	_ =	shalt  }
0x58: {  	_ =	shalt  }
0x59: {  	_ =	shalt  }
0x5a: {  	_ =	shalt  }
0x5b: {  	_ =	shalt  }
0x5c: {  	_ =	shalt  }
0x5d: {  	_ =	shalt  }
0x5e: {  	_ =	shalt  }
0x5f: {  	_ =	shalt  }
0x60: {  	_ =	shalt  }
0x61: {  	_ =	shalt  }
0x62: {  	_ =	shalt  }
0x63: {  	_ =	shalt  }
0x64: {  	_ =	shalt  }
0x65: {  	_ =	shalt  }
0x66: {  	_ =	shalt  }
0x67: {  	_ =	shalt  }
0x68: {  	_ =	shalt  }
0x69: {  	_ =	shalt  }
0x6a: {  	_ =	shalt  }
0x6b: {  	_ =	shalt  }
0x6c: {  	_ =	shalt  }
0x6d: {  	_ =	shalt  }
0x6e: {  	_ =	shalt  }
0x6f: {  	_ =	shalt  }
0x70: {  	_ =	shalt  }
0x71: {  	_ =	shalt  }
0x72: {  	_ =	shalt  }
0x73: {  	_ =	shalt  }
0x74: {  	_ =	shalt  }
0x75: {  	_ =	shalt  }
0x76: {  	_ =	shalt  }
0x77: {  	_ =	shalt  }
0x78: {  	_ =	shalt  }
0x79: {  	_ =	shalt  }
0x7a: {  	_ =	shalt  }
0x7b: {  	_ =	shalt  }
0x7c: {  	_ =	shalt  }
0x7d: {  	_ =	shalt  }
0x7e: {  	_ =	shalt  }
0x7f: {  	_ =	shalt  }
0x80: {  	_ =	shalt  }
0x81: {  	_ =	shalt  }
0x82: {  	_ =	shalt  }
0x83: {  	_ =	shalt  }
0x84: {  	_ =	shalt  }
0x85: {  	_ =	shalt  }
0x86: {  	_ =	shalt  }
0x87: {  	_ =	shalt  }
.Lfunc_end0:
.L_simem_size_0:
called_computation_lowered:
.L_overlay_start_0:
0x88: {  	s2 =	sld [smem:$0x3FD9]  }
0x89: {  	s3 =	sld [smem:$0x3FFE];
	_ =	sdelay $0x1  }
0x8a: {  	s1 =	srdreg.scid  }
0x8b: {  	s0 =	sand.u32 $0x1, s1  }
0x8c: {  	s17 =	sshll.u32 s0, $0xA;
	s2 =	sadd.s32 s3, s2  }
0x8d: {  	s2 =	sadd.s32 s2, s17  }
0x8e: {  	[smem:$0x3FC6] =	sst s2  }
0x8f: {  	_ = 	snop  }
0x90: {  	s2 =	sld [smem:$0x3FD0];
	(tm) =	ssettm $0x1  }
0x91: {  	s18 =	sld [smem:$0x3FFB];
	_ =	sdelay $0x3  }
0x92: {  	_ =	strace s18  }
0x93: {  	s3 =	sld [smem:$0x3FFC];
	_ =	sdelay $0x3  }
0x94: {  	_ =	strace s3  }
0x95: {  	s3 =	sld [smem:$0x3FFD];
	_ =	sdelay $0x3  }
0x96: {  	_ =	strace s3  }
0x97: {  	_ =	strace $0x8FFFFFFF  }
0x98: {  	s19 =	sld [smem:$0x3FDB];
	_ =	sdelay $0x1  }
0x99: {  	s4 =	simm.s32 $_scs_section_size  }
0x9a: {  	s5 =	simm.s32 $_size__tile_overlayer_lowered;
	s6 =	simm.s32 $_tile_overlayer_lowered  }
0x9b: {  	s22 =	simm.s32 $0x1BFF;
	s21 =	sshll.u32 s6, $0x1;
	s3 =	sadd.s32 s4, s19  }
0x9c: {  	s7 =	simm.s32 $0x0;
	s20 =	sshll.u32 s5, $0x1;
	s5 =	sadd.s32 s21, s3  }
0x9d: {  	[timem:s7], [sflag:s22] =	dma.local [hbm:s5], s20  }
0x9e: {  	_ =	swait.ge [sflag:s22], s20  }
0x9f: {  	s4 =	ssub.s32 $0x0, s20;
	[sflag:s22] =	ssyncset.done $0x0  }
0xa0: {  	[sflag:s22] =	ssyncadd.s32 s4;
	_ =	sdelay $0x1  }
0xa1: {  	s23 =	simm.s32 $0x1B8B  }
0xa2: {  	_ =	swait.ge [sflag:s23], $0x1  }
0xa3: {  	[sflag:s23] =	ssyncset.done $0x0  }
0xa4: {  	s25 =	simm.s32 $0x1B8E;
	s24 =	sld [smem:$0x3FFE];
	[sflag:s23] =	ssyncadd.s32 $0xFFFFFFFF  }
0xa5: {  	s26 =	simm.s32 $execute0_lowered;
	[smem:$0x3FD2] =	sst s25  }
0xa6: {  	s5 =	sshll.u32 s26, $0x1;
	_ =	strace $0x80000046;
	[dreg:$0x1] =	wrdreg $0xFFFFFFFF  }
0xa7: {  	s28 =	simm.s32 $_size_execute0_lowered;
	s3 =	sadd.s32 s3, s5;
	[dreg:$0x0] =	wrdreg $0x0  }
0xa8: {  	s5 =	sshll.u32 s28, $0x1;
	[dreg:$0x2] =	wrdreg s3  }
0xa9: {  	[dreg:$0x3] =	wrdreg s5  }
0xaa: {  	[dreg:$0x4] =	wrdreg $0xC0  }
0xab: {  	_ =	task [dreg:s7], $0x5FFFF  }
0xac: {  	[dreg:$0x1] =	wrdreg $0xFFFFFFFF  }
0xad: {  	[dreg:$0x0] =	wrdreg $0x60  }
0xae: {  	[dreg:$0x2] =	wrdreg s24  }
0xaf: {  	[dreg:$0x3] =	wrdreg s2  }
0xb0: {  	[dreg:$0x4] =	wrdreg $0x9  }
0xb1: {  	_ =	task.clear_ibuf [dreg:s7], $0x5FFFF;
	_ =	strace $0x90000046  }
0xb2: {  	s29 =	simm.s32 $0x9;
	_ =	strace $0x80000048  }
0xb3: {  	_ =	swait.ge [sflag:s29], $0x1  }
0xb4: {  	[sflag:s29] =	ssyncadd.s32 $0xFFFFFFFF  }
0xb5: {  	_ =	strace $0x90000048  }
0xb6: {  	_ =	sfence  }
0xb7: {  	s30 =	sld [smem:$0x0];
	_ =	sdelay $0x2  }
0xb8: {  	s31 =	sshll.u32 s1, $0xD;
	s1 =	sshrl.u32 s1, $0x2  }
0xb9: {  	s3 =	sand.u32 $0x4000, s31;
	s1 =	sadd.s32 s1, s30  }
0xba: {  	s0 =	sor.u32 s3, s0;
	s1 =	sshll.u32 s1, $0x11  }
0xbb: {  	s0 =	sor.u32 s1, s0  }
0xbc: {  	s0 =	sadd.s32 $0x8F2B, s0  }
0xbd: {  	[sflag:s0] =	ssyncadd.remote.s32 $0x1  }
0xbe: {  	_ =	sfence.sel $0xFFFF  }
0xbf: {  	[dreg:$0x0] =	wrdreg $0xFFFFFFFF;
	(pc) =	sbr.abs _section_cstart, $3  }
0xc0: {  	[dreg:$0x1] =	wrdreg $0xFFFFFFFF  }
0xc1: {  	_ =	task.clear_ibuf [dreg:s7], $0x2FFFF;
	_ =	strace $0x9FFFFFFF  }
0xc2: {  	(tm) =	ssettm $0x7FFFFFFF  }
0xc3: {  	_ =	shalt  }
tec
execute0_lowered:
.L_overlay_start_1:
0x0: {  	(tag) =	ssettag $0x1  }
0x1: {  	v1 =	vlaneseq.u32  }
0x2: {  	v0 =	vmul.u32 $0x1A, v1;
	_ =	sdelay $0x1  }
0x3: {  	v2 =	vadd.s32 $0x1A0, v0  }
0x4: {  	[tilespmem:$0x1FE10] =	vst v2;
	v2 =	vadd.s32 $0x340, v0  }
0x5: {  	[tilespmem:$0x1FE20] =	vst v2;
	v2 =	vadd.s32 $0x4E0, v0  }
0x6: {  	[tilespmem:$0x1FE30] =	vst v2;
	v2 =	vadd.s32 $0x680, v0  }
0x7: {  	[tilespmem:$0x1FE40] =	vst v2;
	v2 =	vadd.s32 $0x820, v0  }
0x8: {  	[tilespmem:$0x1FE50] =	vst v2;
	v2 =	vadd.s32 $0x9C0, v0  }
0x9: {  	[tilespmem:$0x1FE60] =	vst v2;
	v2 =	vadd.s32 $0xB60, v0  }
0xa: {  	[tilespmem:$0x1FE70] =	vst v2;
	v2 =	vadd.s32 $0xD00, v0  }
0xb: {  	[tilespmem:$0x1FE80] =	vst v2;
	v2 =	vadd.s32 $0xEA0, v0  }
0xc: {  	[tilespmem:$0x1FE90] =	vst v2;
	v2 =	vadd.s32 $0x1040, v0  }
0xd: {  	[tilespmem:$0x1FEA0] =	vst v2;
	v2 =	vadd.s32 $0x11E0, v0  }
0xe: {  	[tilespmem:$0x1FEB0] =	vst v2;
	v2 =	vadd.s32 $0x1380, v0  }
0xf: {  	[tilespmem:$0x1FEC0] =	vst v2;
	v2 =	vadd.s32 $0x1520, v0  }
0x10: {  	[tilespmem:$0x1FED0] =	vst v2;
	v2 =	vadd.s32 $0x16C0, v0  }
0x11: {  	[tilespmem:$0x1FEE0] =	vst v2;
	v2 =	vadd.s32 $0x1860, v0  }
0x12: {  	s4 =	rddreg [dreg:$0x0];
	[tilespmem:$0x1FEF0] =	vst v2;
	v2 =	vor.u32 $0x1, v0  }
0x13: {  	s6 =	rddreg [dreg:$0x1];
	s1 =	simm.s32 $0x0;
	[tilespmem:$0x1FF00] =	vst v2;
	v2 =	vadd.s32 $0x1A1, v0  }
0x14: {  	[smem:$0x7FF] =	sst s1;
	[tilespmem:$0x1FF10] =	vst v2;
	v2 =	vadd.s32 $0x341, v0  }
0x15: {  	s0 =	rddreg [dreg:$0x2];
	v30 =	vmul.u32 $0x100, v1;
	v1 =	vadd.s32 $0x16C1, v0;
	_ =	strace $0x80000047;
	[tilespmem:$0x1FF20] =	vst v2  }
0x16: {  	v2 =	vadd.s32 $0x4E1, v0;
	[tilespmem:$0x1FFE0] =	vst v1  }
0x17: {  	[tilespmem:$0x1FF30] =	vst v2;
	v2 =	vadd.s32 $0x681, v0  }
0x18: {  	s5 =	srdreg.scid;
	s2 =	stileid.u32;
	[tilespmem:$0x1FF40] =	vst v2;
	v2 =	vadd.s32 $0x821, v0  }
0x19: {  	s12 =	simm.s32 $0x3400;
	s13 =	simm.s32 $0x3600;
	s14 =	simm.s32 $0x3500;
	[tilespmem:$0x1FF50] =	vst v2;
	v2 =	vadd.s32 $0x9C1, v0  }
0x1a: {  	vm0 =	vcmask $0x300;
	s15 =	simm.s32 $0x5600;
	s16 =	simm.s32 $0x1;
	s17 =	simm.s32 $0x7600;
	[tilespmem:$0x1FF60] =	vst v2;
	v2 =	vadd.s32 $0xB61, v0  }
0x1b: {  	s18 =	simm.s32 $0x4000;
	s19 =	simm.s32 $0x3;
	s20 =	simm.s32 $0x2;
	v34 =	vor.u32 $0x1000, v30;
	v35 =	vor.u32 $0x1, v30;
	[tilespmem:$0x1FF70] =	vst v2;
	v2 =	vadd.s32 $0xD01, v0  }
0x1c: {  	s21 =	simm.s32 $0x9600;
	s22 =	simm.s32 $0x4;
	s23 =	simm.s32 $0x0;
	v36 =	vor.u32 $0x1001, v30;
	v37 =	vor.u32 $0x2, v30;
	[tilespmem:$0x1FF80] =	vst v2;
	v2 =	vadd.s32 $0xEA1, v0  }
0x1d: {  	s3 =	sadd.s32 $0xF42A00, s4;
	s5 =	sand.u32 $0x1, s5;
	s7 =	sshll.u32 s2, $0x1;
	v38 =	vor.u32 $0x1002, v30;
	v39 =	vor.u32 $0x3, v30;
	[tilespmem:$0x1FF90] =	vst v2;
	v2 =	vadd.s32 $0x1041, v0  }
0x1e: {  	s4 =	sadd.s32 $0x600, s4;
	s8 =	ssub.s32 $0x2, s5;
	s5 =	sor.u32 s5, s7;
	v40 =	vor.u32 $0x1003, v30;
	v41 =	vor.u32 $0x4, v30;
	[tilespmem:$0x1FFA0] =	vst v2;
	v2 =	vadd.s32 $0x11E1, v0  }
0x1f: {  	s30 =	sshrl.u32 s8, $0x1;
	s9 =	smul.u32 $0x680, s5;
	s10 =	sshll.u32 s5, $0x6;
	v42 =	vor.u32 $0x1004, v30;
	v43 =	vor.u32 $0x5, v30;
	[tilespmem:$0x1FFB0] =	vst v2;
	v2 =	vadd.s32 $0x1381, v0  }
0x20: {  	s5 =	sshll.u32 s5, $0x9;
	v44 =	vor.u32 $0x1005, v30;
	v45 =	vor.u32 $0x6, v30;
	s11 =	ssub.s32 s8, s30;
	s31 =	sadd.s32 s10, s4;
	[tilespmem:$0x1FFC0] =	vst v2;
	v2 =	vadd.s32 $0x1521, v0  }
0x21: {  	v46 =	vor.u32 $0x1006, v30;
	s10 =	simm.s32 $0x5;
	s6 =	sadd.s32 s6, s9;
	s7 =	sadd.s32 $0x180020, s31;
	v1 =	vadd.s32 $0x1861, v0;
	[tilespmem:$0x1FFD0] =	vst v2;
	v2 =	vimm.s32 $0x0  }
0x22: {  	v47 =	vor.u32 $0x7, v30;
	v48 =	vor.u32 $0x1007, v30;
	s8 =	sadd.s32 $0x190020, s31;
	s9 =	smax.u32 s11, $0x1;
	s11 =	simm.s32 $0x100;
	[tilespmem:$0x1FFF0] =	vst v1;
	v33 =	vsel vm0, $0x3, v2  }
.LBB2_1:
0x23: {  	[tilespmem:s1], [sflag:$0x5] =	stream.linear.gather [hbm4b:s6+s1], $0x3400, $0x38;
	[tilespmem:$0xB600] =	vst v63  }
0x24: {  	_ =	swait.ge [sflag:s10], $0x3400  }
0x25: {  	[sflag:s10] =	ssyncset.done $0x0  }
0x26: {  	[sflag:s10] =	ssyncadd.s32 $0xFFFFCC00  }
0x27: {  	v1 =	vld.idx.msk [tilespmem:v0+s1+$0x0], $0xffff;
	_ =	sdelay $0x4  }
0x28: {  	[tilespmem:$0x3400] =	vst v1;
	v1 =	vld [tilespmem:$0x1FE10];
	_ =	sdelay $0x7  }
0x29: {  	v1 =	vld.idx.msk [tilespmem:v1+s1+$0x0], $0xffff;
	_ =	sdelay $0x4  }
0x2a: {  	[tilespmem:$0x3410] =	vst v1;
	v1 =	vld [tilespmem:$0x1FE20];
	_ =	sdelay $0x7  }
0x2b: {  	v1 =	vld.idx.msk [tilespmem:v1+s1+$0x0], $0xffff;
	_ =	sdelay $0x4  }
0x2c: {  	[tilespmem:$0x3420] =	vst v1;
	v1 =	vld [tilespmem:$0x1FE30];
	_ =	sdelay $0x7  }
0x2d: {  	v1 =	vld.idx.msk [tilespmem:v1+s1+$0x0], $0xffff;
	_ =	sdelay $0x4  }
0x2e: {  	[tilespmem:$0x3430] =	vst v1;
	v1 =	vld [tilespmem:$0x1FE40];
	_ =	sdelay $0x7  }
0x2f: {  	v1 =	vld.idx.msk [tilespmem:v1+s1+$0x0], $0xffff;
	_ =	sdelay $0x4  }
0x30: {  	[tilespmem:$0x3440] =	vst v1;
	v1 =	vld [tilespmem:$0x1FE50];
	_ =	sdelay $0x7  }
0x31: {  	v1 =	vld.idx.msk [tilespmem:v1+s1+$0x0], $0xffff;
	_ =	sdelay $0x4  }
0x32: {  	[tilespmem:$0x3450] =	vst v1;
	v1 =	vld [tilespmem:$0x1FE60];
	_ =	sdelay $0x7  }
0x33: {  	v1 =	vld.idx.msk [tilespmem:v1+s1+$0x0], $0xffff;
	_ =	sdelay $0x4  }
0x34: {  	[tilespmem:$0x3460] =	vst v1;
	v1 =	vld [tilespmem:$0x1FE70];
	_ =	sdelay $0x7  }
0x35: {  	v1 =	vld.idx.msk [tilespmem:v1+s1+$0x0], $0xffff;
	_ =	sdelay $0x4  }
0x36: {  	[tilespmem:$0x3470] =	vst v1;
	v1 =	vld [tilespmem:$0x1FE80];
	_ =	sdelay $0x7  }
0x37: {  	v1 =	vld.idx.msk [tilespmem:v1+s1+$0x0], $0xffff;
	_ =	sdelay $0x4  }
0x38: {  	[tilespmem:$0x3480] =	vst v1;
	v1 =	vld [tilespmem:$0x1FE90];
	_ =	sdelay $0x7  }
0x39: {  	v1 =	vld.idx.msk [tilespmem:v1+s1+$0x0], $0xffff;
	_ =	sdelay $0x4  }
0x3a: {  	[tilespmem:$0x3490] =	vst v1;
	v1 =	vld [tilespmem:$0x1FEA0];
	_ =	sdelay $0x7  }
0x3b: {  	v1 =	vld.idx.msk [tilespmem:v1+s1+$0x0], $0xffff;
	_ =	sdelay $0x4  }
0x3c: {  	[tilespmem:$0x34A0] =	vst v1;
	v1 =	vld [tilespmem:$0x1FEB0];
	_ =	sdelay $0x7  }
0x3d: {  	v1 =	vld.idx.msk [tilespmem:v1+s1+$0x0], $0xffff;
	_ =	sdelay $0x4  }
0x3e: {  	[tilespmem:$0x34B0] =	vst v1;
	v1 =	vld [tilespmem:$0x1FEC0];
	_ =	sdelay $0x7  }
0x3f: {  	v1 =	vld.idx.msk [tilespmem:v1+s1+$0x0], $0xffff;
	_ =	sdelay $0x4  }
0x40: {  	[tilespmem:$0x34C0] =	vst v1;
	v1 =	vld [tilespmem:$0x1FED0];
	_ =	sdelay $0x7  }
0x41: {  	v1 =	vld.idx.msk [tilespmem:v1+s1+$0x0], $0xffff;
	_ =	sdelay $0x4  }
0x42: {  	[tilespmem:$0x34D0] =	vst v1;
	v1 =	vld [tilespmem:$0x1FEE0];
	_ =	sdelay $0x7  }
0x43: {  	v1 =	vld.idx.msk [tilespmem:v1+s1+$0x0], $0xffff;
	_ =	sdelay $0x4  }
0x44: {  	[tilespmem:$0x34E0] =	vst v1;
	v1 =	vld [tilespmem:$0x1FEF0];
	_ =	sdelay $0x7  }
0x45: {  	v1 =	vld.idx.msk [tilespmem:v1+s1+$0x0], $0xffff;
	_ =	sdelay $0x4  }
0x46: {  	[tilespmem:$0x34F0] =	vst v1;
	v1 =	vld [tilespmem:$0x1FF00];
	_ =	sdelay $0x6  }
0x47: {  	[tilespmem:s13], [sflag:$0x1] =	stream.indirect.gather [hbm4b:s3+s11], $0x20, s12, s11, $0xb8;
	[tilespmem:$0xB600] =	vst v63  }
0x48: {  	v1 =	vld.idx.msk [tilespmem:v1+s1+$0x0], $0xffff;
	_ =	sdelay $0x4  }
0x49: {  	[tilespmem:$0x3500] =	vst v1;
	v1 =	vld [tilespmem:$0x1FF10];
	_ =	sdelay $0x7  }
0x4a: {  	v1 =	vld.idx.msk [tilespmem:v1+s1+$0x0], $0xffff;
	_ =	sdelay $0x4  }
0x4b: {  	[tilespmem:$0x3510] =	vst v1;
	v1 =	vld [tilespmem:$0x1FF20];
	_ =	sdelay $0x7  }
0x4c: {  	v1 =	vld.idx.msk [tilespmem:v1+s1+$0x0], $0xffff;
	_ =	sdelay $0x4  }
0x4d: {  	[tilespmem:$0x3520] =	vst v1;
	v1 =	vld [tilespmem:$0x1FF30];
	_ =	sdelay $0x7  }
0x4e: {  	v1 =	vld.idx.msk [tilespmem:v1+s1+$0x0], $0xffff;
	_ =	sdelay $0x4  }
0x4f: {  	[tilespmem:$0x3530] =	vst v1;
	v1 =	vld [tilespmem:$0x1FF40];
	_ =	sdelay $0x7  }
0x50: {  	v1 =	vld.idx.msk [tilespmem:v1+s1+$0x0], $0xffff;
	_ =	sdelay $0x4  }
0x51: {  	[tilespmem:$0x3540] =	vst v1;
	v1 =	vld [tilespmem:$0x1FF50];
	_ =	sdelay $0x7  }
0x52: {  	v1 =	vld.idx.msk [tilespmem:v1+s1+$0x0], $0xffff;
	_ =	sdelay $0x4  }
0x53: {  	[tilespmem:$0x3550] =	vst v1;
	v1 =	vld [tilespmem:$0x1FF60];
	_ =	sdelay $0x7  }
0x54: {  	v1 =	vld.idx.msk [tilespmem:v1+s1+$0x0], $0xffff;
	_ =	sdelay $0x4  }
0x55: {  	[tilespmem:$0x3560] =	vst v1;
	v1 =	vld [tilespmem:$0x1FF70];
	_ =	sdelay $0x7  }
0x56: {  	v1 =	vld.idx.msk [tilespmem:v1+s1+$0x0], $0xffff;
	_ =	sdelay $0x4  }
0x57: {  	[tilespmem:$0x3570] =	vst v1;
	v1 =	vld [tilespmem:$0x1FF80];
	_ =	sdelay $0x7  }
0x58: {  	v1 =	vld.idx.msk [tilespmem:v1+s1+$0x0], $0xffff;
	_ =	sdelay $0x4  }
0x59: {  	[tilespmem:$0x3580] =	vst v1;
	v1 =	vld [tilespmem:$0x1FF90];
	_ =	sdelay $0x7  }
0x5a: {  	v1 =	vld.idx.msk [tilespmem:v1+s1+$0x0], $0xffff;
	_ =	sdelay $0x4  }
0x5b: {  	[tilespmem:$0x3590] =	vst v1;
	v1 =	vld [tilespmem:$0x1FFA0];
	_ =	sdelay $0x7  }
0x5c: {  	v1 =	vld.idx.msk [tilespmem:v1+s1+$0x0], $0xffff;
	_ =	sdelay $0x4  }
0x5d: {  	[tilespmem:$0x35A0] =	vst v1;
	v1 =	vld [tilespmem:$0x1FFB0];
	_ =	sdelay $0x7  }
0x5e: {  	v1 =	vld.idx.msk [tilespmem:v1+s1+$0x0], $0xffff;
	_ =	sdelay $0x4  }
0x5f: {  	[tilespmem:$0x35B0] =	vst v1;
	v1 =	vld [tilespmem:$0x1FFC0];
	_ =	sdelay $0x7  }
0x60: {  	v1 =	vld.idx.msk [tilespmem:v1+s1+$0x0], $0xffff;
	_ =	sdelay $0x4  }
0x61: {  	[tilespmem:$0x35C0] =	vst v1;
	v1 =	vld [tilespmem:$0x1FFD0];
	_ =	sdelay $0x7  }
0x62: {  	v1 =	vld.idx.msk [tilespmem:v1+s1+$0x0], $0xffff;
	_ =	sdelay $0x4  }
0x63: {  	[tilespmem:$0x35D0] =	vst v1;
	v1 =	vld [tilespmem:$0x1FFE0];
	_ =	sdelay $0x7  }
0x64: {  	v1 =	vld.idx.msk [tilespmem:v1+s1+$0x0], $0xffff;
	_ =	sdelay $0x4  }
0x65: {  	[tilespmem:$0x35E0] =	vst v1;
	v1 =	vld [tilespmem:$0x1FFF0];
	_ =	sdelay $0x7  }
0x66: {  	v1 =	vld.idx.msk [tilespmem:v1+s1+$0x0], $0xffff;
	_ =	sdelay $0x4  }
0x67: {  	s24 =	simm.s32 $0x0;
	[tilespmem:$0x35F0] =	vst v1  }
0x68: {  	[tilespmem:s15], [sflag:$0x2] =	stream.indirect.gather [hbm4b:s3+s11], $0x20, s14, s11, $0xb8;
	[tilespmem:$0xB600] =	vst v63  }
.LBB2_2:
0x69: {  	s25 =	simm.s32 $0x0;
	s31 =	simm.s32 $0x1  }
0x6a: {  	s26 =	simm.s32 $0x2;
	s28 =	simm.s32 $0x3;
	s29 =	simm.s32 $0x5;
	v1 =	vmov s25;
	v2 =	vmov s31  }
0x6b: {  	s30 =	simm.s32 $0x7;
	v3 =	vmov s26;
	v4 =	vmov s28;
	s26 =	simm.s32 $0x4;
	v6 =	vmov s29  }
0x6c: {  	s28 =	simm.s32 $0x6;
	s31 =	simm.s32 $0x8;
	v8 =	vmov s30;
	s29 =	simm.s32 $0xB;
	v1 =	vshrl.u32 v1, $0x3;
	v5 =	vmov s26  }
0x6d: {  	s30 =	simm.s32 $0xD;
	v7 =	vmov s28;
	v9 =	vmov s31;
	v12 =	vmov s29  }
0x6e: {  	v14 =	vmov s30;
	v2 =	vshrl.u32 v2, $0x3;
	v3 =	vshrl.u32 v3, $0x3  }
0x6f: {  	s28 =	simm.s32 $0x9;
	s26 =	simm.s32 $0xA;
	v4 =	vshrl.u32 v4, $0x3;
	v6 =	vshrl.u32 v6, $0x3;
	v8 =	vshrl.u32 v8, $0x3  }
0x70: {  	s31 =	simm.s32 $0xE;
	v10 =	vmov s28;
	v11 =	vmov s26;
	v1 =	vshll.u32 v1, v33  }
0x71: {  	v15 =	vmov s31;
	s26 =	simm.s32 $0xF;
	v5 =	vshrl.u32 v5, $0x3;
	v7 =	vshrl.u32 v7, $0x3  }
0x72: {  	v9 =	vshrl.u32 v9, $0x3;
	v4 =	vshll.u32 v4, v33;
	v49 =	vmov s26  }
0x73: {  	_ =	swait.ge [sflag:s16], $0x2000;
	v12 =	vshrl.u32 v12, $0x3;
	v4 =	vbroadcast v4, $0x0;
	v49 =	vshrl.u32 v49, $0x3  }
0x74: {  	[sflag:s16] =	ssyncset.done $0x0;
	v14 =	vshrl.u32 v14, $0x3;
	v6 =	vshll.u32 v6, v33;
	v49 =	vshll.u32 v49, v33  }
0x75: {  	s25 =	simm.s32 $0x3700;
	[sflag:s16] =	ssyncadd.s32 $0xFFFFE000;
	v6 =	vbroadcast v6, $0x0;
	v59 =	vor.u32 v39, v4;
	v50 =	vbroadcast v49, $0x0  }
0x76: {  	v58 =	vld [tilespmem:s25+$0xFFFFFF60];
	v49 =	vbroadcast v1, $0x0;
	v1 =	vshll.u32 v2, v33;
	v2 =	vshll.u32 v3, v33  }
0x77: {  	s28 =	simm.s32 $0xC;
	v5 =	vshll.u32 v5, v33;
	v3 =	vld [tilespmem:s25+$0xE0];
	v2 =	vbroadcast v2, $0x0;
	v51 =	vor.u32 v47, v50  }
0x78: {  	v22 =	vld [tilespmem:s25+$0xFFFFFFA0];
	v13 =	vmov s28;
	v5 =	vbroadcast v5, $0x0;
	v23 =	vor.u32 v43, v6  }
0x79: {  	v56 =	vld [tilespmem:s25+$0xFFFFFF40];
	v10 =	vshrl.u32 v10, $0x3;
	v11 =	vshrl.u32 v11, $0x3;
	v57 =	vor.u32 v37, v2  }
0x7a: {  	v60 =	vld [tilespmem:s25+$0xFFFFFF80];
	v15 =	vshrl.u32 v15, $0x3;
	v61 =	vor.u32 v41, v5;
	v1 =	vbroadcast v1, $0x0  }
0x7b: {  	v52 =	vld [tilespmem:s25+$0xFFFFFF00];
	v7 =	vshll.u32 v7, v33;
	v13 =	vshrl.u32 v13, $0x3;
	v53 =	vor.u32 v30, v49;
	[tilespmem:v59+s17+$0x0] =	vst.idx.msk $0xffff, v58  }
0x7c: {  	v54 =	vld [tilespmem:s25+$0xFFFFFF20];
	v7 =	vbroadcast v7, $0x0;
	v55 =	vor.u32 v35, v1;
	[tilespmem:v51+s17+$0x0] =	vst.idx.msk $0xffff, v3;
	v3 =	vshll.u32 v8, v33  }
0x7d: {  	v21 =	vor.u32 v48, v50;
	[tilespmem:v23+s17+$0x0] =	vst.idx.msk $0xffff, v22;
	v8 =	vld [tilespmem:s25+$0xF0];
	v16 =	vbroadcast v3, $0x0;
	v3 =	vshll.u32 v9, v33  }
0x7e: {  	v24 =	vor.u32 v45, v7;
	[tilespmem:v57+s17+$0x0] =	vst.idx.msk $0xffff, v56;
	v9 =	vld [tilespmem:s25+$0xFFFFFFC0];
	v56 =	vbroadcast v3, $0x0;
	v3 =	vshll.u32 v10, v33  }
0x7f: {  	s30 =	simm.s32 $0x11;
	[tilespmem:v61+s17+$0x0] =	vst.idx.msk $0xffff, v60;
	v10 =	vld [tilespmem:s25+$0xFFFFFFE0];
	v25 =	vor.u32 v47, v16;
	v58 =	vbroadcast v3, $0x0;
	v3 =	vshll.u32 v11, v33  }
0x80: {  	s28 =	simm.s32 $0x13;
	v60 =	vmov s30;
	[tilespmem:v53+s17+$0x0] =	vst.idx.msk $0xffff, v52;
	v11 =	vld [tilespmem:s25+$0x0];
	v26 =	vor.u32 v30, v56;
	v17 =	vbroadcast v3, $0x0  }
0x81: {  	v61 =	vmov s28;
	[tilespmem:v55+s17+$0x0] =	vst.idx.msk $0xffff, v54;
	v3 =	vshll.u32 v12, v33;
	v12 =	vld [tilespmem:s25+$0x20];
	v27 =	vor.u32 v35, v58  }
0x82: {  	v50 =	vbroadcast v3, $0x0;
	v3 =	vshll.u32 v13, v33;
	[tilespmem:v21+s17+$0x0] =	vst.idx.msk $0xffff, v8;
	v8 =	vld [tilespmem:s25+$0x40];
	v13 =	vor.u32 v37, v17  }
0x83: {  	v20 =	vld [tilespmem:s25+$0xFFFFFF30];
	v51 =	vbroadcast v3, $0x0;
	v3 =	vshll.u32 v14, v33;
	[tilespmem:v24+s17+$0x0] =	vst.idx.msk $0xffff, v9;
	v21 =	vor.u32 v36, v1  }
0x84: {  	s28 =	simm.s32 $0x15;
	v9 =	vld [tilespmem:s25+$0x60];
	v14 =	vor.u32 v39, v50;
	v52 =	vbroadcast v3, $0x0;
	v3 =	vshll.u32 v15, v33;
	[tilespmem:v25+s17+$0x0] =	vst.idx.msk $0xffff, v10  }
0x85: {  	s30 =	simm.s32 $0x16;
	v19 =	vmov s28;
	v10 =	vld [tilespmem:s25+$0x80];
	v54 =	vor.u32 v41, v51;
	v53 =	vbroadcast v3, $0x0;
	[tilespmem:v26+s17+$0x0] =	vst.idx.msk $0xffff, v11  }
0x86: {  	s31 =	simm.s32 $0x12;
	s28 =	simm.s32 $0x17;
	v22 =	vmov s30;
	v61 =	vshrl.u32 v61, $0x3;
	v11 =	vld [tilespmem:s25+$0xA0];
	v55 =	vor.u32 v43, v52;
	[tilespmem:v27+s17+$0x0] =	vst.idx.msk $0xffff, v12  }
0x87: {  	v23 =	vmov s28;
	v57 =	vmov s31;
	s31 =	simm.s32 $0x18;
	v12 =	vld [tilespmem:s25+$0xC0];
	v32 =	vor.u32 v45, v53;
	[tilespmem:v13+s17+$0x0] =	vst.idx.msk $0xffff, v8  }
0x88: {  	s29 =	simm.s32 $0x10;
	s30 =	simm.s32 $0x1C;
	v59 =	vshrl.u32 v19, $0x3;
	v24 =	vmov s31;
	v26 =	vld [tilespmem:s25+$0xFFFFFFB0];
	v27 =	vor.u32 v44, v6;
	[tilespmem:v21+s17+$0x0] =	vst.idx.msk $0xffff, v20  }
0x89: {  	v1 =	vmov s30;
	v15 =	vmov s29;
	s29 =	simm.s32 $0x14;
	v8 =	vld [tilespmem:s25+$0xFFFFFF50];
	v13 =	vor.u32 v38, v2;
	[tilespmem:v14+s17+$0x0] =	vst.idx.msk $0xffff, v9  }
0x8a: {  	s28 =	simm.s32 $0x19;
	v15 =	vshrl.u32 v15, $0x3;
	v18 =	vmov s29;
	v9 =	vld [tilespmem:s25+$0xFFFFFF70];
	v14 =	vor.u32 v40, v4;
	[tilespmem:v54+s17+$0x0] =	vst.idx.msk $0xffff, v10  }
0x8b: {  	v3 =	vmov s28;
	s28 =	simm.s32 $0x1B;
	v25 =	vor.u32 v42, v5;
	v5 =	vshrl.u32 v60, $0x3;
	v10 =	vld [tilespmem:s25+$0xFFFFFF90];
	[tilespmem:v55+s17+$0x0] =	vst.idx.msk $0xffff, v11  }
0x8c: {  	v62 =	vmov s28;
	v63 =	vshll.u32 v15, v33;
	v6 =	vld [tilespmem:s25+$0xFFFFFFD0];
	v11 =	vor.u32 v46, v7;
	[tilespmem:v32+s17+$0x0] =	vst.idx.msk $0xffff, v12  }
0x8d: {  	v60 =	vshrl.u32 v18, $0x3;
	v15 =	vor.u32 v38, v17;
	v7 =	vld [tilespmem:s25+$0xFFFFFFF0];
	v12 =	vor.u32 v48, v16;
	[tilespmem:v27+s17+$0x0] =	vst.idx.msk $0xffff, v26  }
0x8e: {  	s29 =	simm.s32 $0x1A;
	s28 =	simm.s32 $0x1D;
	v2 =	vshrl.u32 v57, $0x3;
	v57 =	vshrl.u32 v22, $0x3;
	[tilespmem:v13+s17+$0x0] =	vst.idx.msk $0xffff, v8;
	v8 =	vld [tilespmem:s25+$0x10];
	v13 =	vor.u32 v34, v56  }
0x8f: {  	s31 =	simm.s32 $0x1E;
	v4 =	vmov s29;
	v54 =	vmov s28;
	[tilespmem:v14+s17+$0x0] =	vst.idx.msk $0xffff, v9;
	v9 =	vld [tilespmem:s25+$0x30];
	v14 =	vor.u32 v36, v58  }
0x90: {  	s26 =	simm.s32 $0x20;
	s28 =	simm.s32 $0x1F;
	v55 =	vmov s31;
	v56 =	vshrl.u32 v24, $0x3;
	v58 =	vshrl.u32 v23, $0x3;
	[tilespmem:v25+s17+$0x0] =	vst.idx.msk $0xffff, v10;
	v10 =	vld [tilespmem:s25+$0x50]  }
.LBB2_3:
0x91: {  	p0 =	slt.u32 s26, $0xF0;
	v3 =	vshrl.u32 v3, $0x3;
	v16 =	vmov s28;
	[tilespmem:v11+s17+$0x0] =	vst.idx.msk $0xffff, v6;
	v6 =	vld [tilespmem:s25+$0x70];
	v11 =	vor.u32 v40, v50  }
0x92: {  	v4 =	vshrl.u32 v4, $0x3;
	v16 =	vshrl.u32 v16, $0x3;
	[tilespmem:v12+s17+$0x0] =	vst.idx.msk $0xffff, v7;
	v7 =	vld [tilespmem:s25+$0x90];
	v12 =	vor.u32 v42, v51  }
0x93: {  	v17 =	vshrl.u32 v62, $0x3;
	v16 =	vshll.u32 v16, v33;
	[tilespmem:v13+s17+$0x0] =	vst.idx.msk $0xffff, v8;
	v8 =	vld [tilespmem:s25+$0xB0];
	v13 =	vor.u32 v44, v52  }
0x94: {  	v1 =	vshrl.u32 v1, $0x3;
	v16 =	vbroadcast v16, $0x0;
	[tilespmem:v14+s17+$0x0] =	vst.idx.msk $0xffff, v9;
	v9 =	vld [tilespmem:s25+$0xD0];
	v14 =	vor.u32 v46, v53  }
0x95: {  	v5 =	vshll.u32 v5, v33;
	v19 =	vor.u32 v34, v49;
	v49 =	vbroadcast v63, $0x0;
	v18 =	vld [tilespmem:s25+$0xFFFFFF10];
	[tilespmem:v15+s17+$0x0] =	vst.idx.msk $0xffff, v10;
	s25 =	sadd.s32 $0x200, s25  }
0x96: {  	v2 =	vshll.u32 v2, v33;
	v5 =	vbroadcast v5, $0x0;
	v10 =	vld [tilespmem:s25+$0xE0];
	v15 =	vor.u32 v47, v16;
	[tilespmem:v11+s17+$0x0] =	vst.idx.msk $0xffff, v6  }
0x97: {  	v20 =	vshll.u32 v61, v33;
	v2 =	vbroadcast v2, $0x0;
	v11 =	vor.u32 v30, v49;
	v6 =	vld [tilespmem:s25+$0xFFFFFF00];
	[tilespmem:v12+s17+$0x0] =	vst.idx.msk $0xffff, v7  }
0x98: {  	v21 =	vshll.u32 v60, v33;
	v20 =	vbroadcast v20, $0x0;
	v12 =	vor.u32 v35, v5;
	v7 =	vld [tilespmem:s25+$0xFFFFFF20];
	[tilespmem:v13+s17+$0x0] =	vst.idx.msk $0xffff, v8  }
0x99: {  	v22 =	vshrl.u32 v54, $0x3;
	v21 =	vbroadcast v21, $0x0;
	v13 =	vor.u32 v37, v2;
	v8 =	vld [tilespmem:s25+$0xFFFFFF40];
	[tilespmem:v14+s17+$0x0] =	vst.idx.msk $0xffff, v9  }
0x9a: {  	v23 =	vshll.u32 v59, v33;
	v24 =	vshrl.u32 v55, $0x3;
	v14 =	vor.u32 v39, v20;
	v9 =	vld [tilespmem:s25+$0xFFFFFF60];
	[tilespmem:v19+s17+$0x0] =	vst.idx.msk $0xffff, v18  }
0x9b: {  	v25 =	vshll.u32 v57, v33;
	v23 =	vbroadcast v23, $0x0;
	v19 =	vor.u32 v41, v21;
	v18 =	vld [tilespmem:s25+$0xFFFFFF80];
	[tilespmem:v15+s17+$0x0] =	vst.idx.msk $0xffff, v10  }
0x9c: {  	v10 =	vbroadcast v25, $0x0;
	v15 =	vor.u32 v48, v16;
	[tilespmem:v11+s17+$0x0] =	vst.idx.msk $0xffff, v6;
	v6 =	vshll.u32 v58, v33;
	v11 =	vld [tilespmem:s25+$0xF0]  }
0x9d: {  	[tilespmem:v12+s17+$0x0] =	vst.idx.msk $0xffff, v7;
	v7 =	vld [tilespmem:s25+$0xFFFFFFA0];
	v12 =	vor.u32 v43, v23;
	v16 =	vbroadcast v6, $0x0;
	v6 =	vshll.u32 v56, v33  }
0x9e: {  	v3 =	vshll.u32 v3, v33;
	[tilespmem:v13+s17+$0x0] =	vst.idx.msk $0xffff, v8;
	v8 =	vld [tilespmem:s25+$0xFFFFFFC0];
	v13 =	vor.u32 v45, v10;
	v25 =	vbroadcast v6, $0x0  }
0x9f: {  	[tilespmem:v14+s17+$0x0] =	vst.idx.msk $0xffff, v9;
	v6 =	vld [tilespmem:s25+$0xFFFFFFE0];
	v9 =	vor.u32 v47, v16;
	v14 =	vbroadcast v3, $0x0;
	v3 =	vshll.u32 v4, v33  }
0xa0: {  	[tilespmem:v19+s17+$0x0] =	vst.idx.msk $0xffff, v18;
	v4 =	vld [tilespmem:s25+$0x0];
	v18 =	vor.u32 v30, v25;
	v19 =	vbroadcast v3, $0x0;
	v3 =	vshll.u32 v17, v33  }
0xa1: {  	v1 =	vshll.u32 v1, v33;
	v17 =	vld [tilespmem:s25+$0x20];
	v26 =	vor.u32 v35, v14;
	v50 =	vbroadcast v3, $0x0;
	[tilespmem:v15+s17+$0x0] =	vst.idx.msk $0xffff, v11  }
0xa2: {  	v51 =	vbroadcast v1, $0x0;
	v1 =	vshll.u32 v22, v33;
	[tilespmem:v12+s17+$0x0] =	vst.idx.msk $0xffff, v7;
	v3 =	vld [tilespmem:s25+$0x40];
	v7 =	vor.u32 v37, v19  }
0xa3: {  	v52 =	vbroadcast v1, $0x0;
	v1 =	vshll.u32 v24, v33;
	[tilespmem:v13+s17+$0x0] =	vst.idx.msk $0xffff, v8;
	v8 =	vld [tilespmem:s25+$0x60];
	v11 =	vor.u32 v39, v50  }
0xa4: {  	s28 =	sadd.s32 $0x1, s26;
	v53 =	vbroadcast v1, $0x0;
	v12 =	vmov s26;
	[tilespmem:v9+s17+$0x0] =	vst.idx.msk $0xffff, v6;
	v6 =	vld [tilespmem:s25+$0x80];
	v9 =	vor.u32 v41, v51  }
0xa5: {  	s29 =	sadd.s32 $0x3, s26;
	v15 =	vor.u32 v43, v52;
	v12 =	vshrl.u32 v12, $0x3;
	v13 =	vmov s28;
	s28 =	sadd.s32 $0x2, s26;
	[tilespmem:v18+s17+$0x0] =	vst.idx.msk $0xffff, v4;
	v1 =	vld [tilespmem:s25+$0xA0]  }
0xa6: {  	v22 =	vmov s29;
	s29 =	sadd.s32 $0x5, s26;
	v24 =	vor.u32 v45, v53;
	v18 =	vmov s28;
	s28 =	sadd.s32 $0x4, s26;
	[tilespmem:v26+s17+$0x0] =	vst.idx.msk $0xffff, v17;
	v17 =	vld [tilespmem:s25+$0xC0]  }
0xa7: {  	v27 =	vmov s29;
	s29 =	sadd.s32 $0x7, s26;
	v5 =	vor.u32 v36, v5;
	v26 =	vmov s28;
	s28 =	sadd.s32 $0x6, s26;
	v56 =	vld [tilespmem:s25+$0xFFFFFF30];
	[tilespmem:v7+s17+$0x0] =	vst.idx.msk $0xffff, v3  }
0xa8: {  	v59 =	vor.u32 v38, v2;
	v58 =	vmov s29;
	s29 =	sadd.s32 $0x9, s26;
	v57 =	vmov s28;
	s28 =	sadd.s32 $0x8, s26;
	v7 =	vld [tilespmem:s25+$0xFFFFFF50];
	[tilespmem:v11+s17+$0x0] =	vst.idx.msk $0xffff, v8  }
0xa9: {  	v20 =	vor.u32 v40, v20;
	v3 =	vmov s29;
	s29 =	sadd.s32 $0xB, s26;
	v28 =	vmov s28;
	s28 =	sadd.s32 $0xA, s26;
	v8 =	vld [tilespmem:s25+$0xFFFFFF70];
	[tilespmem:v9+s17+$0x0] =	vst.idx.msk $0xffff, v6  }
0xaa: {  	v21 =	vor.u32 v42, v21;
	v62 =	vmov s29;
	s29 =	sadd.s32 $0xD, s26;
	v4 =	vmov s28;
	s28 =	sadd.s32 $0xC, s26;
	v9 =	vld [tilespmem:s25+$0xFFFFFF90];
	[tilespmem:v15+s17+$0x0] =	vst.idx.msk $0xffff, v1  }
0xab: {  	v23 =	vor.u32 v44, v23;
	v54 =	vmov s29;
	v1 =	vmov s28;
	s28 =	sadd.s32 $0xE, s26;
	v15 =	vld [tilespmem:s25+$0xFFFFFFB0];
	[tilespmem:v24+s17+$0x0] =	vst.idx.msk $0xffff, v17  }
.Ltmp0:
0xac: {  	v63 =	vshll.u32 v12, v33;
	v11 =	vor.u32 v46, v10;
	v55 =	vmov s28;
	[tilespmem:v5+s17+$0x0] =	vst.idx.msk $0xffff, v56;
	v6 =	vld [tilespmem:s25+$0xFFFFFFD0];
	(pc) =	sbr.rel @p0 .LBB2_3-.Ltmp0, $4  }
0xad: {  	v12 =	vor.u32 v48, v16;
	v2 =	vshrl.u32 v18, $0x3;
	v5 =	vshrl.u32 v13, $0x3;
	[tilespmem:v59+s17+$0x0] =	vst.idx.msk $0xffff, v7;
	v7 =	vld [tilespmem:s25+$0xFFFFFFF0]  }
0xae: {  	v61 =	vshrl.u32 v22, $0x3;
	v60 =	vshrl.u32 v26, $0x3;
	v13 =	vor.u32 v34, v25;
	[tilespmem:v20+s17+$0x0] =	vst.idx.msk $0xffff, v8;
	v8 =	vld [tilespmem:s25+$0x10]  }
0xaf: {  	v14 =	vor.u32 v36, v14;
	v57 =	vshrl.u32 v57, $0x3;
	v59 =	vshrl.u32 v27, $0x3;
	[tilespmem:v21+s17+$0x0] =	vst.idx.msk $0xffff, v9;
	v9 =	vld [tilespmem:s25+$0x30]  }
0xb0: {  	v58 =	vshrl.u32 v58, $0x3;
	s28 =	sadd.s32 $0xF, s26;
	s26 =	sadd.s32 $0x10, s26;
	v56 =	vshrl.u32 v28, $0x3;
	[tilespmem:v23+s17+$0x0] =	vst.idx.msk $0xffff, v15;
	v10 =	vld [tilespmem:s25+$0x50];
	v15 =	vor.u32 v38, v19  }
0xb1: {  	_ =	sdelay $0x3  }
0xb2: {  	v3 =	vshrl.u32 v3, $0x3;
	[tilespmem:v11+s17+$0x0] =	vst.idx.msk $0xffff, v6;
	v6 =	vld [tilespmem:s25+$0x70];
	v11 =	vor.u32 v40, v50  }
0xb3: {  	v16 =	vmov s28;
	v5 =	vshll.u32 v5, v33;
	v18 =	vld [tilespmem:s25+$0xFFFFFF10];
	v19 =	vor.u32 v34, v49;
	[tilespmem:v12+s17+$0x0] =	vst.idx.msk $0xffff, v7  }
0xb4: {  	v21 =	vshll.u32 v60, v33;
	v16 =	vshrl.u32 v16, $0x3;
	v7 =	vld [tilespmem:s25+$0x90];
	v12 =	vor.u32 v42, v51;
	[tilespmem:v13+s17+$0x0] =	vst.idx.msk $0xffff, v8  }
0xb5: {  	v21 =	vbroadcast v21, $0x0;
	v16 =	vshll.u32 v16, v33;
	v8 =	vld [tilespmem:s25+$0xB0];
	v13 =	vor.u32 v44, v52;
	[tilespmem:v14+s17+$0x0] =	vst.idx.msk $0xffff, v9  }
0xb6: {  	s26 =	sadd.s32 $0x200, s25;
	v22 =	vshrl.u32 v54, $0x3;
	v16 =	vbroadcast v16, $0x0;
	v9 =	vld [tilespmem:s25+$0xD0];
	v14 =	vor.u32 v46, v53;
	[tilespmem:v15+s17+$0x0] =	vst.idx.msk $0xffff, v10  }
0xb7: {  	v24 =	vshrl.u32 v55, $0x3;
	v54 =	vld [tilespmem:s26+$0xFFFFFF80];
	v53 =	vbroadcast v63, $0x0;
	v55 =	vor.u32 v41, v21;
	[tilespmem:v11+s17+$0x0] =	vst.idx.msk $0xffff, v6  }
0xb8: {  	v2 =	vshll.u32 v2, v33;
	v5 =	vbroadcast v5, $0x0;
	v10 =	vld [tilespmem:s26+$0xE0];
	v15 =	vor.u32 v47, v16;
	[tilespmem:v19+s17+$0x0] =	vst.idx.msk $0xffff, v18  }
0xb9: {  	v20 =	vshll.u32 v61, v33;
	v2 =	vbroadcast v2, $0x0;
	v6 =	vld [tilespmem:s26+$0xFFFFFF00];
	v11 =	vor.u32 v30, v53;
	[tilespmem:v12+s17+$0x0] =	vst.idx.msk $0xffff, v7  }
0xba: {  	v20 =	vbroadcast v20, $0x0;
	v3 =	vshll.u32 v3, v33;
	v7 =	vld [tilespmem:s26+$0xFFFFFF20];
	v12 =	vor.u32 v35, v5;
	[tilespmem:v13+s17+$0x0] =	vst.idx.msk $0xffff, v8  }
0xbb: {  	v3 =	vbroadcast v3, $0x0;
	v8 =	vld [tilespmem:s26+$0xFFFFFF40];
	v13 =	vor.u32 v37, v2;
	[tilespmem:v14+s17+$0x0] =	vst.idx.msk $0xffff, v9  }
0xbc: {  	v4 =	vshrl.u32 v4, $0x3;
	v23 =	vshll.u32 v59, v33;
	v9 =	vld [tilespmem:s26+$0xFFFFFF60];
	v14 =	vor.u32 v39, v20;
	[tilespmem:v55+s17+$0x0] =	vst.idx.msk $0xffff, v54  }
0xbd: {  	v25 =	vshll.u32 v57, v33;
	v23 =	vbroadcast v23, $0x0;
	v59 =	vld [tilespmem:s26+$0x20];
	v26 =	vor.u32 v35, v3;
	[tilespmem:v15+s17+$0x0] =	vst.idx.msk $0xffff, v10  }
0xbe: {  	[tilespmem:v11+s17+$0x0] =	vst.idx.msk $0xffff, v6;
	v6 =	vbroadcast v25, $0x0;
	v10 =	vshll.u32 v58, v33;
	v15 =	vor.u32 v48, v16;
	v11 =	vld [tilespmem:s26+$0xF0]  }
0xbf: {  	v17 =	vshrl.u32 v62, $0x3;
	[tilespmem:v12+s17+$0x0] =	vst.idx.msk $0xffff, v7;
	v7 =	vld [tilespmem:s26+$0xFFFFFFA0];
	v12 =	vor.u32 v43, v23;
	v10 =	vbroadcast v10, $0x0  }
0xc0: {  	v1 =	vshrl.u32 v1, $0x3;
	v16 =	vshll.u32 v56, v33;
	[tilespmem:v13+s17+$0x0] =	vst.idx.msk $0xffff, v8;
	v8 =	vld [tilespmem:s26+$0xFFFFFFC0];
	v13 =	vor.u32 v45, v6  }
0xc1: {  	v4 =	vshll.u32 v4, v33;
	v16 =	vbroadcast v16, $0x0;
	[tilespmem:v14+s17+$0x0] =	vst.idx.msk $0xffff, v9;
	v9 =	vld [tilespmem:s26+$0xFFFFFFE0];
	v14 =	vor.u32 v47, v10  }
0xc2: {  	v17 =	vshll.u32 v17, v33;
	v4 =	vbroadcast v4, $0x0;
	v5 =	vor.u32 v36, v5;
	[tilespmem:v26+s17+$0x0] =	vst.idx.msk $0xffff, v59;
	v32 =	vld [tilespmem:s26+$0xFFFFFF30]  }
0xc3: {  	v57 =	vld [tilespmem:s26+$0x0];
	v1 =	vshll.u32 v1, v33;
	v17 =	vbroadcast v17, $0x0;
	v58 =	vor.u32 v30, v16;
	[tilespmem:v15+s17+$0x0] =	vst.idx.msk $0xffff, v11  }
0xc4: {  	v1 =	vbroadcast v1, $0x0;
	[tilespmem:v12+s17+$0x0] =	vst.idx.msk $0xffff, v7;
	v7 =	vld [tilespmem:s26+$0x40];
	v11 =	vor.u32 v37, v4  }
0xc5: {  	v12 =	vshll.u32 v22, v33;
	[tilespmem:v13+s17+$0x0] =	vst.idx.msk $0xffff, v8;
	v8 =	vld [tilespmem:s26+$0x60];
	v13 =	vor.u32 v39, v17  }
0xc6: {  	v12 =	vbroadcast v12, $0x0;
	[tilespmem:v14+s17+$0x0] =	vst.idx.msk $0xffff, v9;
	v9 =	vld [tilespmem:s26+$0x80];
	v14 =	vor.u32 v41, v1  }
0xc7: {  	v6 =	vor.u32 v46, v6;
	[tilespmem:v5+s17+$0x0] =	vst.idx.msk $0xffff, v32;
	v5 =	vld [tilespmem:s26+$0xFFFFFFD0]  }
0xc8: {  	v60 =	vld [tilespmem:s26+$0xA0];
	v15 =	vshll.u32 v24, v33;
	[tilespmem:v58+s17+$0x0] =	vst.idx.msk $0xffff, v57;
	v61 =	vor.u32 v43, v12  }
0xc9: {  	v2 =	vor.u32 v38, v2;
	v15 =	vbroadcast v15, $0x0;
	[tilespmem:v11+s17+$0x0] =	vst.idx.msk $0xffff, v7;
	v7 =	vld [tilespmem:s26+$0xFFFFFF50]  }
0xca: {  	v11 =	vor.u32 v40, v20;
	[tilespmem:v13+s17+$0x0] =	vst.idx.msk $0xffff, v8;
	v8 =	vld [tilespmem:s26+$0xFFFFFF70]  }
0xcb: {  	v62 =	vld [tilespmem:s26+$0xC0];
	v63 =	vor.u32 v45, v15;
	[tilespmem:v14+s17+$0x0] =	vst.idx.msk $0xffff, v9  }
0xcc: {  	v13 =	vor.u32 v42, v21;
	v9 =	vld [tilespmem:s26+$0xFFFFFF90];
	[tilespmem:v6+s17+$0x0] =	vst.idx.msk $0xffff, v5  }
0xcd: {  	v49 =	vor.u32 v44, v23;
	v14 =	vld [tilespmem:s26+$0xFFFFFFB0];
	[tilespmem:v61+s17+$0x0] =	vst.idx.msk $0xffff, v60  }
0xce: {  	[tilespmem:v2+s17+$0x0] =	vst.idx.msk $0xffff, v7;
	v2 =	vld [tilespmem:s26+$0xFFFFFFF0];
	v7 =	vor.u32 v48, v10  }
0xcf: {  	v10 =	vor.u32 v34, v16;
	[tilespmem:v11+s17+$0x0] =	vst.idx.msk $0xffff, v8;
	v8 =	vld [tilespmem:s26+$0x10]  }
0xd0: {  	v5 =	vld [tilespmem:s26+$0x70];
	v6 =	vor.u32 v40, v17;
	[tilespmem:v63+s17+$0x0] =	vst.idx.msk $0xffff, v62  }
0xd1: {  	s25 =	sshll.u32 s24, $0x1;
	v3 =	vor.u32 v36, v3;
	[tilespmem:v13+s17+$0x0] =	vst.idx.msk $0xffff, v9;
	v9 =	vld [tilespmem:s26+$0x30]  }
0xd2: {  	s28 =	sadd.s32 $0x2, s25;
	v4 =	vor.u32 v38, v4;
	v11 =	vld [tilespmem:s26+$0x50];
	[tilespmem:v49+s17+$0x0] =	vst.idx.msk $0xffff, v14  }
0xd3: {  	s29 =	smulhi.u32 $0x4EC4EC4F, s28;
	v1 =	vor.u32 v42, v1;
	[tilespmem:v7+s17+$0x0] =	vst.idx.msk $0xffff, v2;
	v2 =	vld [tilespmem:s26+$0x90]  }
0xd4: {  	v7 =	vld [tilespmem:s26+$0xB0];
	[tilespmem:v10+s17+$0x0] =	vst.idx.msk $0xffff, v8;
	v8 =	vor.u32 v44, v12  }
0xd5: {  	p0 =	sgt.u32 s24, $0xC;
	s30 =	simm.s32 $0xFFFFFFE6;
	s29 =	sshrl.u32 s29, $0x3;
	[tilespmem:v6+s17+$0x0] =	vst.idx.msk $0xffff, v5;
	v10 =	vld [tilespmem:s26+$0xFFFFFF10];
	v12 =	vor.u32 v34, v53  }
0xd6: {  	s30 =	simm.s32 @!p0 $0x0;
	s29 =	smul.u32 $0x19E6, s29;
	[tilespmem:v3+s17+$0x0] =	vst.idx.msk $0xffff, v9;
	v3 =	vld [tilespmem:s26+$0xD0];
	v9 =	vor.u32 v46, v15;
	s26 =	simm.s32 $0x100  }
0xd7: {  	s30 =	sadd.s32 s25, s30;
	[tilespmem:v4+s17+$0x0] =	vst.idx.msk $0xffff, v11;
	s26 =	simm.s32 @!p0 $0x0  }
0xd8: {  	s30 =	sshll.u32 s30, $0x13;
	s28 =	sadd.s32 s28, s29;
	s26 =	sor.u32 s5, s26;
	[tilespmem:v1+s17+$0x0] =	vst.idx.msk $0xffff, v2  }
0xd9: {  	s26 =	sor.u32 s26, s30;
	v1 =	vadd.s32 s28, v0;
	[tilespmem:v8+s17+$0x0] =	vst.idx.msk $0xffff, v7  }
0xda: {  	s29 =	sshrl.u32 s26, $0x3;
	[tilespmem:v12+s17+$0x0] =	vst.idx.msk $0xffff, v10  }
0xdb: {  	[tilespmem:v9+s17+$0x0] =	vst.idx.msk $0xffff, v3;
	s29 =	sadd.s32 s4, s29  }
0xdc: {  	[hbm4b:s29+s11] =	stream.strided.scatter [tilespmem:s17], [sflag:$0x3], $0x2000, s18, s11, $0x38;
	[tilespmem:$0xB600] =	vst v63  }
0xdd: {  	s29 =	simm.s32 $0x0  }
0xde: {  	s30 =	sadd.s32 $0x1A0, s28;
	v1 =	vld.idx.msk [tilespmem:v1+s29+$0x0], $0xffff  }
0xdf: {  	v2 =	vadd.s32 s30, v0;
	_ =	sdelay $0x3  }
0xe0: {  	[tilespmem:$0x3400] =	vst v1  }
0xe1: {  	s30 =	sadd.s32 $0x340, s28;
	v1 =	vld.idx.msk [tilespmem:v2+s29+$0x0], $0xffff  }
0xe2: {  	v2 =	vadd.s32 s30, v0;
	_ =	sdelay $0x3  }
0xe3: {  	[tilespmem:$0x3410] =	vst v1  }
0xe4: {  	s30 =	sadd.s32 $0x4E0, s28;
	v1 =	vld.idx.msk [tilespmem:v2+s29+$0x0], $0xffff  }
0xe5: {  	v2 =	vadd.s32 s30, v0;
	_ =	sdelay $0x3  }
0xe6: {  	[tilespmem:$0x3420] =	vst v1  }
0xe7: {  	s30 =	sadd.s32 $0x680, s28;
	v1 =	vld.idx.msk [tilespmem:v2+s29+$0x0], $0xffff  }
0xe8: {  	v2 =	vadd.s32 s30, v0;
	_ =	sdelay $0x3  }
0xe9: {  	[tilespmem:$0x3430] =	vst v1  }
0xea: {  	s30 =	sadd.s32 $0x820, s28;
	v1 =	vld.idx.msk [tilespmem:v2+s29+$0x0], $0xffff  }
0xeb: {  	v2 =	vadd.s32 s30, v0;
	_ =	sdelay $0x3  }
0xec: {  	[tilespmem:$0x3440] =	vst v1  }
0xed: {  	s30 =	sadd.s32 $0x9C0, s28;
	v1 =	vld.idx.msk [tilespmem:v2+s29+$0x0], $0xffff  }
0xee: {  	v2 =	vadd.s32 s30, v0;
	_ =	sdelay $0x3  }
0xef: {  	[tilespmem:$0x3450] =	vst v1  }
0xf0: {  	s30 =	sadd.s32 $0xB60, s28;
	v1 =	vld.idx.msk [tilespmem:v2+s29+$0x0], $0xffff  }
0xf1: {  	v2 =	vadd.s32 s30, v0;
	_ =	sdelay $0x3  }
0xf2: {  	[tilespmem:$0x3460] =	vst v1  }
0xf3: {  	s30 =	sadd.s32 $0xD00, s28;
	v1 =	vld.idx.msk [tilespmem:v2+s29+$0x0], $0xffff  }
0xf4: {  	v2 =	vadd.s32 s30, v0;
	_ =	sdelay $0x3  }
0xf5: {  	[tilespmem:$0x3470] =	vst v1  }
0xf6: {  	s30 =	sadd.s32 $0xEA0, s28;
	v1 =	vld.idx.msk [tilespmem:v2+s29+$0x0], $0xffff  }
0xf7: {  	v2 =	vadd.s32 s30, v0;
	_ =	sdelay $0x3  }
0xf8: {  	[tilespmem:$0x3480] =	vst v1  }
0xf9: {  	s30 =	sadd.s32 $0x1040, s28;
	v1 =	vld.idx.msk [tilespmem:v2+s29+$0x0], $0xffff  }
0xfa: {  	v2 =	vadd.s32 s30, v0;
	_ =	sdelay $0x3  }
0xfb: {  	[tilespmem:$0x3490] =	vst v1  }
0xfc: {  	s30 =	sadd.s32 $0x11E0, s28;
	v1 =	vld.idx.msk [tilespmem:v2+s29+$0x0], $0xffff  }
0xfd: {  	v2 =	vadd.s32 s30, v0;
	_ =	sdelay $0x3  }
0xfe: {  	[tilespmem:$0x34A0] =	vst v1  }
0xff: {  	s30 =	sadd.s32 $0x1380, s28;
	v1 =	vld.idx.msk [tilespmem:v2+s29+$0x0], $0xffff  }
0x100: {  	v2 =	vadd.s32 s30, v0;
	_ =	sdelay $0x3  }
0x101: {  	[tilespmem:$0x34B0] =	vst v1  }
0x102: {  	s30 =	sadd.s32 $0x1520, s28;
	v1 =	vld.idx.msk [tilespmem:v2+s29+$0x0], $0xffff  }
0x103: {  	v2 =	vadd.s32 s30, v0;
	_ =	sdelay $0x3  }
0x104: {  	[tilespmem:$0x34C0] =	vst v1  }
0x105: {  	s30 =	sadd.s32 $0x16C0, s28;
	v1 =	vld.idx.msk [tilespmem:v2+s29+$0x0], $0xffff  }
0x106: {  	v2 =	vadd.s32 s30, v0;
	_ =	sdelay $0x3  }
0x107: {  	[tilespmem:$0x34D0] =	vst v1  }
0x108: {  	s28 =	sadd.s32 $0x1860, s28;
	v1 =	vld.idx.msk [tilespmem:v2+s29+$0x0], $0xffff  }
0x109: {  	v2 =	vadd.s32 s28, v0;
	_ =	sdelay $0x2  }
0x10a: {  	s30 =	simm.s32 $0x3  }
0x10b: {  	v5 =	vmov s30;
	s30 =	simm.s32 $0x6;
	[tilespmem:$0x34E0] =	vst v1  }
0x10c: {  	v8 =	vmov s30;
	s30 =	simm.s32 $0x9;
	v5 =	vshrl.u32 v5, $0x3;
	v1 =	vld.idx.msk [tilespmem:v2+s29+$0x0], $0xffff  }
0x10d: {  	v11 =	vmov s30;
	s30 =	simm.s32 $0xC;
	v8 =	vshrl.u32 v8, $0x3;
	v5 =	vshll.u32 v5, v33;
	s28 =	simm.s32 $0x1  }
0x10e: {  	v13 =	vmov s30;
	v11 =	vshrl.u32 v11, $0x3;
	v3 =	vmov s28;
	s28 =	simm.s32 $0x4  }
0x10f: {  	v5 =	vbroadcast v5, $0x0;
	v8 =	vshll.u32 v8, v33;
	v6 =	vmov s28;
	s28 =	simm.s32 $0x7  }
0x110: {  	v13 =	vshrl.u32 v13, $0x3;
	v8 =	vbroadcast v8, $0x0;
	v9 =	vmov s28;
	s28 =	simm.s32 $0xA  }
0x111: {  	v57 =	vor.u32 v39, v5;
	v6 =	vshrl.u32 v6, $0x3;
	[tilespmem:$0x34F0] =	vst v1;
	v1 =	vmov s28;
	s28 =	simm.s32 $0xD  }
0x112: {  	v60 =	vor.u32 v45, v8;
	v3 =	vshrl.u32 v3, $0x3;
	v6 =	vshll.u32 v6, v33;
	[tilespmem:s13], [sflag:$0x1] =	stream.indirect.gather [hbm4b:s3+s11], $0x20, s12, s11, $0xb8;
	[tilespmem:$0xB600] =	vst v63  }
0x113: {  	v6 =	vbroadcast v6, $0x0;
	v2 =	vmov s29;
	v14 =	vmov s28;
	s28 =	simm.s32 $0xF;
	_ =	swait.ge [sflag:s19], $0x2000  }
0x114: {  	v9 =	vshrl.u32 v9, $0x3;
	s29 =	simm.s32 $0x2;
	v2 =	vshrl.u32 v2, $0x3;
	v16 =	vmov s28;
	[sflag:s19] =	ssyncset.done $0x0  }
0x115: {  	v4 =	vmov s29;
	s29 =	simm.s32 $0x5;
	v27 =	vor.u32 v41, v6;
	v16 =	vshrl.u32 v16, $0x3;
	[sflag:s19] =	ssyncadd.s32 $0xFFFFE000  }
0x116: {  	v7 =	vmov s29;
	s29 =	simm.s32 $0x8;
	v2 =	vshll.u32 v2, v33;
	v16 =	vshll.u32 v16, v33;
	_ =	swait.ge [sflag:s20], $0x2000  }
0x117: {  	v4 =	vshrl.u32 v4, $0x3;
	v10 =	vmov s29;
	v16 =	vbroadcast v16, $0x0;
	[sflag:s20] =	ssyncset.done $0x0  }
0x118: {  	v7 =	vshrl.u32 v7, $0x3;
	v49 =	vbroadcast v2, $0x0;
	v2 =	vshll.u32 v3, v33;
	s28 =	simm.s32 $0x5700;
	[sflag:s20] =	ssyncadd.s32 $0xFFFFE000  }
0x119: {  	s29 =	simm.s32 $0xB;
	v3 =	vshll.u32 v4, v33;
	v2 =	vbroadcast v2, $0x0;
	v17 =	vor.u32 v47, v16;
	v4 =	vld [tilespmem:s28+$0xE0]  }
0x11a: {  	v12 =	vmov s29;
	v3 =	vbroadcast v3, $0x0;
	v51 =	vor.u32 v30, v49;
	v50 =	vld [tilespmem:s28+$0xFFFFFF00]  }
0x11b: {  	s29 =	simm.s32 $0xE;
	v10 =	vshrl.u32 v10, $0x3;
	v7 =	vshll.u32 v7, v33;
	v53 =	vor.u32 v35, v2;
	v52 =	vld [tilespmem:s28+$0xFFFFFF20]  }
0x11c: {  	v15 =	vmov s29;
	v12 =	vshrl.u32 v12, $0x3;
	v55 =	vor.u32 v37, v3;
	v54 =	vld [tilespmem:s28+$0xFFFFFF40]  }
0x11d: {  	v7 =	vbroadcast v7, $0x0;
	v1 =	vshrl.u32 v1, $0x3;
	v15 =	vshrl.u32 v15, $0x3;
	v56 =	vld [tilespmem:s28+$0xFFFFFF60]  }
0x11e: {  	v2 =	vor.u32 v36, v2;
	v14 =	vshrl.u32 v14, $0x3;
	v1 =	vshll.u32 v1, v33;
	v58 =	vld [tilespmem:s28+$0xFFFFFF80];
	[tilespmem:v17+s21+$0x0] =	vst.idx.msk $0xffff, v4  }
0x11f: {  	v59 =	vor.u32 v43, v7;
	v25 =	vbroadcast v1, $0x0;
	v1 =	vshll.u32 v12, v33;
	[tilespmem:v51+s21+$0x0] =	vst.idx.msk $0xffff, v50;
	v17 =	vld [tilespmem:s28+$0xFFFFFFA0]  }
0x120: {  	v16 =	vor.u32 v48, v16;
	v4 =	vshll.u32 v9, v33;
	[tilespmem:v53+s21+$0x0] =	vst.idx.msk $0xffff, v52;
	v50 =	vbroadcast v1, $0x0;
	v9 =	vld [tilespmem:s28+$0xF0]  }
0x121: {  	[tilespmem:v55+s21+$0x0] =	vst.idx.msk $0xffff, v54;
	v1 =	vshll.u32 v13, v33;
	v19 =	vbroadcast v4, $0x0;
	v4 =	vshll.u32 v10, v33;
	v10 =	vld [tilespmem:s28+$0xFFFFFFC0]  }
0x122: {  	[tilespmem:v57+s21+$0x0] =	vst.idx.msk $0xffff, v56;
	v51 =	vbroadcast v1, $0x0;
	v1 =	vshll.u32 v14, v33;
	v28 =	vld [tilespmem:s28+$0xFFFFFF30];
	v21 =	vbroadcast v4, $0x0  }
0x123: {  	[tilespmem:v27+s21+$0x0] =	vst.idx.msk $0xffff, v58;
	v4 =	vshll.u32 v11, v33;
	v11 =	vld [tilespmem:s28+$0xFFFFFFE0];
	v52 =	vbroadcast v1, $0x0;
	v61 =	vor.u32 v47, v19  }
0x124: {  	v1 =	vshll.u32 v15, v33;
	v23 =	vbroadcast v4, $0x0;
	v4 =	vld [tilespmem:s28+$0x0];
	v62 =	vor.u32 v30, v21;
	[tilespmem:v59+s21+$0x0] =	vst.idx.msk $0xffff, v17  }
0x125: {  	v53 =	vbroadcast v1, $0x0;
	v1 =	vld [tilespmem:s28+$0xA0];
	v32 =	vor.u32 v43, v52;
	[tilespmem:v16+s21+$0x0] =	vst.idx.msk $0xffff, v9  }
0x126: {  	v12 =	vld [tilespmem:s28+$0x20];
	v63 =	vor.u32 v35, v23;
	[tilespmem:v60+s21+$0x0] =	vst.idx.msk $0xffff, v10  }
0x127: {  	s30 =	simm.s32 $0x13;
	v29 =	vor.u32 v42, v6;
	v13 =	vor.u32 v37, v25;
	v9 =	vld [tilespmem:s28+$0x40];
	[tilespmem:v2+s21+$0x0] =	vst.idx.msk $0xffff, v28  }
0x128: {  	v22 =	vmov s30;
	s30 =	simm.s32 $0x15;
	v31 =	vor.u32 v44, v7;
	v14 =	vor.u32 v39, v50;
	v10 =	vld [tilespmem:s28+$0x60];
	[tilespmem:v61+s21+$0x0] =	vst.idx.msk $0xffff, v11  }
0x129: {  	s29 =	simm.s32 $0x10;
	v27 =	vmov s30;
	s30 =	simm.s32 $0x17;
	v57 =	vor.u32 v38, v3;
	v16 =	vor.u32 v41, v51;
	v11 =	vld [tilespmem:s28+$0x80];
	[tilespmem:v62+s21+$0x0] =	vst.idx.msk $0xffff, v4  }
0x12a: {  	v58 =	vor.u32 v40, v5;
	v56 =	vmov s30;
	s30 =	simm.s32 $0x19;
	v15 =	vmov s29;
	s29 =	simm.s32 $0x11;
	v18 =	vld [tilespmem:s28+$0xFFFFFFB0];
	[tilespmem:v32+s21+$0x0] =	vst.idx.msk $0xffff, v1  }
0x12b: {  	v3 =	vmov s30;
	v17 =	vmov s29;
	s29 =	simm.s32 $0x12;
	v24 =	vor.u32 v45, v53;
	[tilespmem:v63+s21+$0x0] =	vst.idx.msk $0xffff, v12;
	v12 =	vld [tilespmem:s28+$0xC0]  }
0x12c: {  	v15 =	vshrl.u32 v15, $0x3;
	v59 =	vshrl.u32 v27, $0x3;
	v20 =	vmov s29;
	s29 =	simm.s32 $0x14;
	[tilespmem:v13+s21+$0x0] =	vst.idx.msk $0xffff, v9;
	v13 =	vld [tilespmem:s28+$0xFFFFFF50]  }
0x12d: {  	s30 =	simm.s32 $0x1B;
	v5 =	vshrl.u32 v17, $0x3;
	v26 =	vmov s29;
	v2 =	vshrl.u32 v20, $0x3;
	[tilespmem:v14+s21+$0x0] =	vst.idx.msk $0xffff, v10;
	v14 =	vld [tilespmem:s28+$0xFFFFFF70]  }
0x12e: {  	s29 =	simm.s32 $0x16;
	v61 =	vshrl.u32 v22, $0x3;
	v60 =	vshrl.u32 v26, $0x3;
	v62 =	vmov s30;
	s30 =	simm.s32 $0x1D;
	[tilespmem:v16+s21+$0x0] =	vst.idx.msk $0xffff, v11;
	v16 =	vld [tilespmem:s28+$0xFFFFFF90]  }
0x12f: {  	v6 =	vld [tilespmem:s28+$0xFFFFFFD0];
	v54 =	vmov s30;
	v9 =	vmov s29;
	s29 =	simm.s32 $0x18;
	[tilespmem:v31+s21+$0x0] =	vst.idx.msk $0xffff, v18;
	v11 =	vor.u32 v46, v8  }
0x130: {  	v7 =	vld [tilespmem:s28+$0xFFFFFFF0];
	v63 =	vshll.u32 v15, v33;
	v10 =	vmov s29;
	s29 =	simm.s32 $0x1A;
	[tilespmem:v24+s21+$0x0] =	vst.idx.msk $0xffff, v12;
	v12 =	vor.u32 v48, v19  }
0x131: {  	v15 =	vor.u32 v38, v25;
	v4 =	vmov s29;
	s29 =	simm.s32 $0x1C;
	v8 =	vld [tilespmem:s28+$0x10];
	[tilespmem:v57+s21+$0x0] =	vst.idx.msk $0xffff, v13;
	v13 =	vor.u32 v34, v21  }
0x132: {  	v1 =	vmov s29;
	s29 =	simm.s32 $0x1E;
	[tilespmem:v58+s21+$0x0] =	vst.idx.msk $0xffff, v14;
	v57 =	vshrl.u32 v9, $0x3;
	v9 =	vld [tilespmem:s28+$0x30];
	v14 =	vor.u32 v36, v23  }
0x133: {  	s30 =	simm.s32 $0x1F;
	v55 =	vmov s29;
	s29 =	simm.s32 $0x20;
	v58 =	vshrl.u32 v56, $0x3;
	v56 =	vshrl.u32 v10, $0x3;
	v10 =	vld [tilespmem:s28+$0x50];
	[tilespmem:v29+s21+$0x0] =	vst.idx.msk $0xffff, v16  }
.LBB2_5:
0x134: {  	p0 =	slt.u32 s29, $0xF0;
	v3 =	vshrl.u32 v3, $0x3;
	v16 =	vmov s30;
	[tilespmem:v11+s21+$0x0] =	vst.idx.msk $0xffff, v6;
	v6 =	vld [tilespmem:s28+$0x70];
	v11 =	vor.u32 v40, v50  }
0x135: {  	v4 =	vshrl.u32 v4, $0x3;
	v16 =	vshrl.u32 v16, $0x3;
	[tilespmem:v12+s21+$0x0] =	vst.idx.msk $0xffff, v7;
	v7 =	vld [tilespmem:s28+$0x90];
	v12 =	vor.u32 v42, v51  }
0x136: {  	v17 =	vshrl.u32 v62, $0x3;
	v16 =	vshll.u32 v16, v33;
	[tilespmem:v13+s21+$0x0] =	vst.idx.msk $0xffff, v8;
	v8 =	vld [tilespmem:s28+$0xB0];
	v13 =	vor.u32 v44, v52  }
0x137: {  	v1 =	vshrl.u32 v1, $0x3;
	v16 =	vbroadcast v16, $0x0;
	[tilespmem:v14+s21+$0x0] =	vst.idx.msk $0xffff, v9;
	v9 =	vld [tilespmem:s28+$0xD0];
	v14 =	vor.u32 v46, v53  }
0x138: {  	v5 =	vshll.u32 v5, v33;
	v19 =	vor.u32 v34, v49;
	v49 =	vbroadcast v63, $0x0;
	v18 =	vld [tilespmem:s28+$0xFFFFFF10];
	[tilespmem:v15+s21+$0x0] =	vst.idx.msk $0xffff, v10;
	s28 =	sadd.s32 $0x200, s28  }
0x139: {  	v2 =	vshll.u32 v2, v33;
	v5 =	vbroadcast v5, $0x0;
	v10 =	vld [tilespmem:s28+$0xE0];
	v15 =	vor.u32 v47, v16;
	[tilespmem:v11+s21+$0x0] =	vst.idx.msk $0xffff, v6  }
0x13a: {  	v20 =	vshll.u32 v61, v33;
	v2 =	vbroadcast v2, $0x0;
	v11 =	vor.u32 v30, v49;
	v6 =	vld [tilespmem:s28+$0xFFFFFF00];
	[tilespmem:v12+s21+$0x0] =	vst.idx.msk $0xffff, v7  }
0x13b: {  	v21 =	vshll.u32 v60, v33;
	v20 =	vbroadcast v20, $0x0;
	v12 =	vor.u32 v35, v5;
	v7 =	vld [tilespmem:s28+$0xFFFFFF20];
	[tilespmem:v13+s21+$0x0] =	vst.idx.msk $0xffff, v8  }
0x13c: {  	v22 =	vshrl.u32 v54, $0x3;
	v21 =	vbroadcast v21, $0x0;
	v13 =	vor.u32 v37, v2;
	v8 =	vld [tilespmem:s28+$0xFFFFFF40];
	[tilespmem:v14+s21+$0x0] =	vst.idx.msk $0xffff, v9  }
0x13d: {  	v23 =	vshll.u32 v59, v33;
	v24 =	vshrl.u32 v55, $0x3;
	v14 =	vor.u32 v39, v20;
	v9 =	vld [tilespmem:s28+$0xFFFFFF60];
	[tilespmem:v19+s21+$0x0] =	vst.idx.msk $0xffff, v18  }
0x13e: {  	v25 =	vshll.u32 v57, v33;
	v23 =	vbroadcast v23, $0x0;
	v19 =	vor.u32 v41, v21;
	v18 =	vld [tilespmem:s28+$0xFFFFFF80];
	[tilespmem:v15+s21+$0x0] =	vst.idx.msk $0xffff, v10  }
0x13f: {  	v10 =	vbroadcast v25, $0x0;
	v15 =	vor.u32 v48, v16;
	[tilespmem:v11+s21+$0x0] =	vst.idx.msk $0xffff, v6;
	v6 =	vshll.u32 v58, v33;
	v11 =	vld [tilespmem:s28+$0xF0]  }
0x140: {  	[tilespmem:v12+s21+$0x0] =	vst.idx.msk $0xffff, v7;
	v7 =	vld [tilespmem:s28+$0xFFFFFFA0];
	v12 =	vor.u32 v43, v23;
	v16 =	vbroadcast v6, $0x0;
	v6 =	vshll.u32 v56, v33  }
0x141: {  	v3 =	vshll.u32 v3, v33;
	[tilespmem:v13+s21+$0x0] =	vst.idx.msk $0xffff, v8;
	v8 =	vld [tilespmem:s28+$0xFFFFFFC0];
	v13 =	vor.u32 v45, v10;
	v25 =	vbroadcast v6, $0x0  }
0x142: {  	[tilespmem:v14+s21+$0x0] =	vst.idx.msk $0xffff, v9;
	v6 =	vld [tilespmem:s28+$0xFFFFFFE0];
	v9 =	vor.u32 v47, v16;
	v14 =	vbroadcast v3, $0x0;
	v3 =	vshll.u32 v4, v33  }
0x143: {  	[tilespmem:v19+s21+$0x0] =	vst.idx.msk $0xffff, v18;
	v4 =	vld [tilespmem:s28+$0x0];
	v18 =	vor.u32 v30, v25;
	v19 =	vbroadcast v3, $0x0;
	v3 =	vshll.u32 v17, v33  }
0x144: {  	v1 =	vshll.u32 v1, v33;
	v17 =	vld [tilespmem:s28+$0x20];
	v26 =	vor.u32 v35, v14;
	v50 =	vbroadcast v3, $0x0;
	[tilespmem:v15+s21+$0x0] =	vst.idx.msk $0xffff, v11  }
0x145: {  	v51 =	vbroadcast v1, $0x0;
	v1 =	vshll.u32 v22, v33;
	[tilespmem:v12+s21+$0x0] =	vst.idx.msk $0xffff, v7;
	v3 =	vld [tilespmem:s28+$0x40];
	v7 =	vor.u32 v37, v19  }
0x146: {  	v52 =	vbroadcast v1, $0x0;
	v1 =	vshll.u32 v24, v33;
	[tilespmem:v13+s21+$0x0] =	vst.idx.msk $0xffff, v8;
	v8 =	vld [tilespmem:s28+$0x60];
	v11 =	vor.u32 v39, v50  }
0x147: {  	s30 =	sadd.s32 $0x1, s29;
	v53 =	vbroadcast v1, $0x0;
	v12 =	vmov s29;
	[tilespmem:v9+s21+$0x0] =	vst.idx.msk $0xffff, v6;
	v6 =	vld [tilespmem:s28+$0x80];
	v9 =	vor.u32 v41, v51  }
0x148: {  	s31 =	sadd.s32 $0x3, s29;
	v15 =	vor.u32 v43, v52;
	v12 =	vshrl.u32 v12, $0x3;
	v13 =	vmov s30;
	s30 =	sadd.s32 $0x2, s29;
	[tilespmem:v18+s21+$0x0] =	vst.idx.msk $0xffff, v4;
	v1 =	vld [tilespmem:s28+$0xA0]  }
0x149: {  	v22 =	vmov s31;
	s31 =	sadd.s32 $0x5, s29;
	v24 =	vor.u32 v45, v53;
	v18 =	vmov s30;
	s30 =	sadd.s32 $0x4, s29;
	[tilespmem:v26+s21+$0x0] =	vst.idx.msk $0xffff, v17;
	v17 =	vld [tilespmem:s28+$0xC0]  }
0x14a: {  	v27 =	vmov s31;
	s31 =	sadd.s32 $0x7, s29;
	v5 =	vor.u32 v36, v5;
	v26 =	vmov s30;
	s30 =	sadd.s32 $0x6, s29;
	v28 =	vld [tilespmem:s28+$0xFFFFFF30];
	[tilespmem:v7+s21+$0x0] =	vst.idx.msk $0xffff, v3  }
0x14b: {  	v31 =	vmov s31;
	s31 =	sadd.s32 $0x9, s29;
	v56 =	vor.u32 v38, v2;
	v29 =	vmov s30;
	s30 =	sadd.s32 $0x8, s29;
	v7 =	vld [tilespmem:s28+$0xFFFFFF50];
	[tilespmem:v11+s21+$0x0] =	vst.idx.msk $0xffff, v8  }
0x14c: {  	v20 =	vor.u32 v40, v20;
	v3 =	vmov s31;
	s31 =	sadd.s32 $0xB, s29;
	v32 =	vmov s30;
	s30 =	sadd.s32 $0xA, s29;
	v8 =	vld [tilespmem:s28+$0xFFFFFF70];
	[tilespmem:v9+s21+$0x0] =	vst.idx.msk $0xffff, v6  }
0x14d: {  	v21 =	vor.u32 v42, v21;
	v62 =	vmov s31;
	s31 =	sadd.s32 $0xD, s29;
	v4 =	vmov s30;
	s30 =	sadd.s32 $0xC, s29;
	v9 =	vld [tilespmem:s28+$0xFFFFFF90];
	[tilespmem:v15+s21+$0x0] =	vst.idx.msk $0xffff, v1  }
0x14e: {  	v23 =	vor.u32 v44, v23;
	v54 =	vmov s31;
	v1 =	vmov s30;
	s30 =	sadd.s32 $0xE, s29;
	v15 =	vld [tilespmem:s28+$0xFFFFFFB0];
	[tilespmem:v24+s21+$0x0] =	vst.idx.msk $0xffff, v17  }
.Ltmp1:
0x14f: {  	v63 =	vshll.u32 v12, v33;
	v11 =	vor.u32 v46, v10;
	v55 =	vmov s30;
	[tilespmem:v5+s21+$0x0] =	vst.idx.msk $0xffff, v28;
	v6 =	vld [tilespmem:s28+$0xFFFFFFD0];
	(pc) =	sbr.rel @p0 .LBB2_5-.Ltmp1, $4  }
0x150: {  	v12 =	vor.u32 v48, v16;
	v2 =	vshrl.u32 v18, $0x3;
	v5 =	vshrl.u32 v13, $0x3;
	[tilespmem:v56+s21+$0x0] =	vst.idx.msk $0xffff, v7;
	v7 =	vld [tilespmem:s28+$0xFFFFFFF0]  }
0x151: {  	v61 =	vshrl.u32 v22, $0x3;
	v60 =	vshrl.u32 v26, $0x3;
	v13 =	vor.u32 v34, v25;
	[tilespmem:v20+s21+$0x0] =	vst.idx.msk $0xffff, v8;
	v8 =	vld [tilespmem:s28+$0x10]  }
0x152: {  	v59 =	vshrl.u32 v27, $0x3;
	v14 =	vor.u32 v36, v14;
	v57 =	vshrl.u32 v29, $0x3;
	[tilespmem:v21+s21+$0x0] =	vst.idx.msk $0xffff, v9;
	v9 =	vld [tilespmem:s28+$0x30]  }
0x153: {  	v58 =	vshrl.u32 v31, $0x3;
	s30 =	sadd.s32 $0xF, s29;
	s29 =	sadd.s32 $0x10, s29;
	v56 =	vshrl.u32 v32, $0x3;
	[tilespmem:v23+s21+$0x0] =	vst.idx.msk $0xffff, v15;
	v10 =	vld [tilespmem:s28+$0x50];
	v15 =	vor.u32 v38, v19  }
0x154: {  	_ =	sdelay $0x2  }
0x155: {  	v3 =	vshrl.u32 v3, $0x3  }
0x156: {  	v16 =	vmov s30;
	[tilespmem:v11+s21+$0x0] =	vst.idx.msk $0xffff, v6;
	v22 =	vld [tilespmem:s28+$0x70];
	v23 =	vor.u32 v40, v50;
	v24 =	vor.u32 v42, v51  }
0x157: {  	v4 =	vshrl.u32 v4, $0x3;
	v25 =	vld [tilespmem:s28+$0xB0];
	v26 =	vor.u32 v44, v52;
	v32 =	vor.u32 v46, v53;
	[tilespmem:v12+s21+$0x0] =	vst.idx.msk $0xffff, v7  }
0x158: {  	v17 =	vshrl.u32 v62, $0x3;
	v27 =	vld [tilespmem:s28+$0xD0];
	v5 =	vshll.u32 v5, v33;
	v19 =	vor.u32 v34, v49;
	[tilespmem:v13+s21+$0x0] =	vst.idx.msk $0xffff, v8  }
0x159: {  	v50 =	vbroadcast v63, $0x0;
	v18 =	vld [tilespmem:s28+$0xFFFFFF10];
	v2 =	vshll.u32 v2, v33;
	v20 =	vshll.u32 v61, v33;
	[tilespmem:v14+s21+$0x0] =	vst.idx.msk $0xffff, v9  }
0x15a: {  	s31 =	sadd.s32 $0x200, s28;
	v21 =	vshll.u32 v60, v33;
	v16 =	vshrl.u32 v16, $0x3;
	v7 =	vld [tilespmem:s28+$0x90];
	v2 =	vbroadcast v2, $0x0;
	[tilespmem:v15+s21+$0x0] =	vst.idx.msk $0xffff, v10  }
0x15b: {  	v51 =	vld [tilespmem:s31+$0xFFFFFF00];
	v20 =	vbroadcast v20, $0x0;
	v16 =	vshll.u32 v16, v33;
	v52 =	vor.u32 v30, v50;
	[tilespmem:v23+s21+$0x0] =	vst.idx.msk $0xffff, v22  }
0x15c: {  	v3 =	vshll.u32 v3, v33;
	v8 =	vld [tilespmem:s31+$0xFFFFFF40];
	v16 =	vbroadcast v16, $0x0;
	v60 =	vor.u32 v37, v2;
	[tilespmem:v26+s21+$0x0] =	vst.idx.msk $0xffff, v25  }
0x15d: {  	v21 =	vbroadcast v21, $0x0;
	v61 =	vld [tilespmem:s31+$0xFFFFFF60];
	v4 =	vshll.u32 v4, v33;
	v62 =	vor.u32 v39, v20;
	[tilespmem:v32+s21+$0x0] =	vst.idx.msk $0xffff, v27  }
0x15e: {  	v5 =	vbroadcast v5, $0x0;
	v10 =	vld [tilespmem:s31+$0xE0];
	v49 =	vor.u32 v47, v16;
	[tilespmem:v19+s21+$0x0] =	vst.idx.msk $0xffff, v18;
	v25 =	vshll.u32 v57, v33  }
0x15f: {  	v63 =	vld [tilespmem:s31+$0xFFFFFF80];
	v3 =	vbroadcast v3, $0x0;
	v32 =	vor.u32 v41, v21;
	[tilespmem:v24+s21+$0x0] =	vst.idx.msk $0xffff, v7;
	v6 =	vbroadcast v25, $0x0  }
0x160: {  	v53 =	vor.u32 v35, v5;
	v7 =	vld [tilespmem:s31+$0xFFFFFF20];
	v24 =	vshrl.u32 v55, $0x3;
	v55 =	vshll.u32 v56, v33;
	[tilespmem:v52+s21+$0x0] =	vst.idx.msk $0xffff, v51  }
0x161: {  	v56 =	vld [tilespmem:s31+$0xFFFFFFC0];
	v52 =	vor.u32 v48, v16;
	v16 =	vbroadcast v55, $0x0;
	[tilespmem:v60+s21+$0x0] =	vst.idx.msk $0xffff, v8;
	v57 =	vor.u32 v45, v6  }
0x162: {  	v4 =	vbroadcast v4, $0x0;
	v26 =	vor.u32 v35, v3;
	[tilespmem:v62+s21+$0x0] =	vst.idx.msk $0xffff, v61;
	v62 =	vld [tilespmem:s31+$0x20]  }
0x163: {  	v23 =	vshll.u32 v59, v33;
	v60 =	vld [tilespmem:s31+$0x0];
	v61 =	vor.u32 v30, v16;
	[tilespmem:v49+s21+$0x0] =	vst.idx.msk $0xffff, v10  }
0x164: {  	v23 =	vbroadcast v23, $0x0;
	v49 =	vshll.u32 v58, v33;
	[tilespmem:v32+s21+$0x0] =	vst.idx.msk $0xffff, v63;
	v63 =	vld [tilespmem:s31+$0x40];
	v32 =	vor.u32 v37, v4  }
0x165: {  	v22 =	vshrl.u32 v54, $0x3;
	v51 =	vld [tilespmem:s31+$0xF0];
	[tilespmem:v53+s21+$0x0] =	vst.idx.msk $0xffff, v7;
	v10 =	vbroadcast v49, $0x0  }
0x166: {  	v54 =	vor.u32 v43, v23;
	v53 =	vld [tilespmem:s31+$0xFFFFFFA0];
	v49 =	vshll.u32 v22, v33;
	[tilespmem:v57+s21+$0x0] =	vst.idx.msk $0xffff, v56  }
0x167: {  	v58 =	vld [tilespmem:s31+$0xFFFFFFE0];
	v12 =	vbroadcast v49, $0x0;
	v59 =	vor.u32 v47, v10;
	[tilespmem:v26+s21+$0x0] =	vst.idx.msk $0xffff, v62  }
0x168: {  	v27 =	vor.u32 v42, v21;
	v26 =	vld [tilespmem:s31+$0xFFFFFF90];
	[tilespmem:v61+s21+$0x0] =	vst.idx.msk $0xffff, v60  }
0x169: {  	v56 =	vld [tilespmem:s31+$0xA0];
	v57 =	vor.u32 v43, v12;
	[tilespmem:v32+s21+$0x0] =	vst.idx.msk $0xffff, v63  }
0x16a: {  	v1 =	vshrl.u32 v1, $0x3;
	v17 =	vshll.u32 v17, v33;
	v5 =	vor.u32 v36, v5;
	v60 =	vld [tilespmem:s31+$0xFFFFFF30];
	[tilespmem:v52+s21+$0x0] =	vst.idx.msk $0xffff, v51  }
0x16b: {  	v1 =	vshll.u32 v1, v33;
	v17 =	vbroadcast v17, $0x0;
	v2 =	vor.u32 v38, v2;
	v61 =	vld [tilespmem:s31+$0xFFFFFF50];
	[tilespmem:v54+s21+$0x0] =	vst.idx.msk $0xffff, v53  }
0x16c: {  	v1 =	vbroadcast v1, $0x0;
	v62 =	vld [tilespmem:s31+$0xFFFFFF70];
	v63 =	vor.u32 v40, v20;
	[tilespmem:v59+s21+$0x0] =	vst.idx.msk $0xffff, v58  }
0x16d: {  	v51 =	vld [tilespmem:s31+$0x60];
	v52 =	vor.u32 v39, v17;
	v53 =	vshll.u32 v24, v33;
	[tilespmem:v27+s21+$0x0] =	vst.idx.msk $0xffff, v26  }
0x16e: {  	v55 =	vor.u32 v41, v1;
	v54 =	vld [tilespmem:s31+$0x80];
	v15 =	vbroadcast v53, $0x0;
	[tilespmem:v57+s21+$0x0] =	vst.idx.msk $0xffff, v56  }
0x16f: {  	v49 =	vor.u32 v44, v23;
	v32 =	vld [tilespmem:s31+$0xFFFFFFB0];
	[tilespmem:v5+s21+$0x0] =	vst.idx.msk $0xffff, v60  }
0x170: {  	v58 =	vld [tilespmem:s31+$0xC0];
	v59 =	vor.u32 v45, v15;
	[tilespmem:v2+s21+$0x0] =	vst.idx.msk $0xffff, v61  }
0x171: {  	v4 =	vor.u32 v38, v4;
	v56 =	vld [tilespmem:s31+$0x50];
	[tilespmem:v63+s21+$0x0] =	vst.idx.msk $0xffff, v62  }
0x172: {  	v2 =	vld [tilespmem:s31+$0xFFFFFFF0];
	[tilespmem:v52+s21+$0x0] =	vst.idx.msk $0xffff, v51;
	v52 =	vor.u32 v48, v10  }
0x173: {  	v62 =	vld [tilespmem:s31+$0xFFFFFF10];
	v63 =	vor.u32 v34, v50;
	[tilespmem:v55+s21+$0x0] =	vst.idx.msk $0xffff, v54  }
0x174: {  	v6 =	vor.u32 v46, v6;
	v51 =	vld [tilespmem:s31+$0xFFFFFFD0];
	[tilespmem:v49+s21+$0x0] =	vst.idx.msk $0xffff, v32  }
0x175: {  	s25 =	sadd.s32 $0x3, s25;
	v3 =	vor.u32 v36, v3;
	v55 =	vld [tilespmem:s31+$0x30];
	[tilespmem:v59+s21+$0x0] =	vst.idx.msk $0xffff, v58  }
0x176: {  	s29 =	smulhi.u32 $0x4EC4EC4F, s25;
	v53 =	vld [tilespmem:s31+$0x10];
	v54 =	vor.u32 v34, v16;
	[tilespmem:v4+s21+$0x0] =	vst.idx.msk $0xffff, v56  }
0x177: {  	v1 =	vor.u32 v42, v1;
	[tilespmem:v52+s21+$0x0] =	vst.idx.msk $0xffff, v2;
	v2 =	vld [tilespmem:s31+$0x90]  }
0x178: {  	s29 =	sshrl.u32 s29, $0x3;
	v57 =	vld [tilespmem:s31+$0x70];
	v58 =	vor.u32 v40, v17;
	[tilespmem:v63+s21+$0x0] =	vst.idx.msk $0xffff, v62  }
0x179: {  	s29 =	smul.u32 $0x19E6, s29;
	v60 =	vor.u32 v44, v12;
	v59 =	vld [tilespmem:s31+$0xB0];
	[tilespmem:v6+s21+$0x0] =	vst.idx.msk $0xffff, v51  }
0x17a: {  	v61 =	vor.u32 v46, v15;
	[tilespmem:v3+s21+$0x0] =	vst.idx.msk $0xffff, v55;
	v3 =	vld [tilespmem:s31+$0xD0]  }
0x17b: {  	s25 =	sadd.s32 s25, s29;
	[tilespmem:v54+s21+$0x0] =	vst.idx.msk $0xffff, v53  }
0x17c: {  	[tilespmem:v1+s21+$0x0] =	vst.idx.msk $0xffff, v2;
	v1 =	vadd.s32 s25, v0  }
0x17d: {  	s26 =	sadd.s32 $0x80000, s26;
	[tilespmem:v58+s21+$0x0] =	vst.idx.msk $0xffff, v57  }
0x17e: {  	s26 =	sshrl.u32 s26, $0x3;
	[tilespmem:v60+s21+$0x0] =	vst.idx.msk $0xffff, v59  }
0x17f: {  	s26 =	sadd.s32 s4, s26;
	[tilespmem:v61+s21+$0x0] =	vst.idx.msk $0xffff, v3  }
0x180: {  	[hbm4b:s26+s11] =	stream.strided.scatter [tilespmem:s21], [sflag:$0x4], $0x2000, s18, s11, $0x38;
	[tilespmem:$0xB600] =	vst v63  }
0x181: {  	s30 =	sadd.s32 $0x1A0, s25;
	v1 =	vld.idx.msk [tilespmem:v1+s1+$0x0], $0xffff  }
0x182: {  	v2 =	vadd.s32 s30, v0;
	_ =	sdelay $0x3  }
0x183: {  	[tilespmem:$0x3500] =	vst v1  }
0x184: {  	s31 =	sadd.s32 $0x340, s25;
	v1 =	vld.idx.msk [tilespmem:v2+s1+$0x0], $0xffff  }
0x185: {  	v2 =	vadd.s32 s31, v0;
	_ =	sdelay $0x3  }
0x186: {  	[tilespmem:$0x3510] =	vst v1  }
0x187: {  	s28 =	sadd.s32 $0x4E0, s25;
	v1 =	vld.idx.msk [tilespmem:v2+s1+$0x0], $0xffff  }
0x188: {  	v2 =	vadd.s32 s28, v0;
	_ =	sdelay $0x3  }
0x189: {  	[tilespmem:$0x3520] =	vst v1  }
0x18a: {  	s29 =	sadd.s32 $0x680, s25;
	v1 =	vld.idx.msk [tilespmem:v2+s1+$0x0], $0xffff  }
0x18b: {  	v2 =	vadd.s32 s29, v0;
	_ =	sdelay $0x3  }
0x18c: {  	[tilespmem:$0x3530] =	vst v1  }
0x18d: {  	s30 =	sadd.s32 $0x820, s25;
	v1 =	vld.idx.msk [tilespmem:v2+s1+$0x0], $0xffff  }
0x18e: {  	v2 =	vadd.s32 s30, v0;
	_ =	sdelay $0x3  }
0x18f: {  	[tilespmem:$0x3540] =	vst v1  }
0x190: {  	s31 =	sadd.s32 $0x9C0, s25;
	v1 =	vld.idx.msk [tilespmem:v2+s1+$0x0], $0xffff  }
0x191: {  	v2 =	vadd.s32 s31, v0;
	_ =	sdelay $0x3  }
0x192: {  	[tilespmem:$0x3550] =	vst v1  }
0x193: {  	s28 =	sadd.s32 $0xB60, s25;
	v1 =	vld.idx.msk [tilespmem:v2+s1+$0x0], $0xffff  }
0x194: {  	v2 =	vadd.s32 s28, v0;
	_ =	sdelay $0x3  }
0x195: {  	[tilespmem:$0x3560] =	vst v1  }
0x196: {  	s29 =	sadd.s32 $0xD00, s25;
	v1 =	vld.idx.msk [tilespmem:v2+s1+$0x0], $0xffff  }
0x197: {  	v2 =	vadd.s32 s29, v0;
	_ =	sdelay $0x3  }
0x198: {  	[tilespmem:$0x3570] =	vst v1  }
0x199: {  	s30 =	sadd.s32 $0xEA0, s25;
	v1 =	vld.idx.msk [tilespmem:v2+s1+$0x0], $0xffff  }
0x19a: {  	v2 =	vadd.s32 s30, v0;
	_ =	sdelay $0x3  }
0x19b: {  	[tilespmem:$0x3580] =	vst v1  }
0x19c: {  	s31 =	sadd.s32 $0x1040, s25;
	v1 =	vld.idx.msk [tilespmem:v2+s1+$0x0], $0xffff  }
0x19d: {  	v2 =	vadd.s32 s31, v0;
	_ =	sdelay $0x3  }
0x19e: {  	[tilespmem:$0x3590] =	vst v1  }
0x19f: {  	s28 =	sadd.s32 $0x11E0, s25;
	v1 =	vld.idx.msk [tilespmem:v2+s1+$0x0], $0xffff  }
0x1a0: {  	v2 =	vadd.s32 s28, v0;
	_ =	sdelay $0x3  }
0x1a1: {  	[tilespmem:$0x35A0] =	vst v1  }
0x1a2: {  	s29 =	sadd.s32 $0x1380, s25;
	v1 =	vld.idx.msk [tilespmem:v2+s1+$0x0], $0xffff  }
0x1a3: {  	v2 =	vadd.s32 s29, v0;
	_ =	sdelay $0x3  }
0x1a4: {  	[tilespmem:$0x35B0] =	vst v1  }
0x1a5: {  	s30 =	sadd.s32 $0x1520, s25;
	v1 =	vld.idx.msk [tilespmem:v2+s1+$0x0], $0xffff  }
0x1a6: {  	v2 =	vadd.s32 s30, v0;
	_ =	sdelay $0x3  }
0x1a7: {  	[tilespmem:$0x35C0] =	vst v1  }
0x1a8: {  	s31 =	sadd.s32 $0x16C0, s25;
	v1 =	vld.idx.msk [tilespmem:v2+s1+$0x0], $0xffff  }
0x1a9: {  	v2 =	vadd.s32 s31, v0;
	_ =	sdelay $0x3  }
0x1aa: {  	[tilespmem:$0x35D0] =	vst v1  }
0x1ab: {  	s25 =	sadd.s32 $0x1860, s25;
	v1 =	vld.idx.msk [tilespmem:v2+s1+$0x0], $0xffff  }
0x1ac: {  	v2 =	vadd.s32 s25, v0;
	_ =	sdelay $0x3  }
0x1ad: {  	[tilespmem:$0x35E0] =	vst v1  }
0x1ae: {  	v1 =	vld.idx.msk [tilespmem:v2+s1+$0x0], $0xffff;
	_ =	sdelay $0x2  }
0x1af: {  	s24 =	sadd.s32 $0x1, s24  }
0x1b0: {  	p0 =	sne.s32 s24, $0x19  }
.Ltmp2:
0x1b1: {  	[tilespmem:$0x35F0] =	vst v1;
	(pc) =	sbr.rel @p0 .LBB2_2-.Ltmp2, $4  }
0x1b2: {  	[tilespmem:s15], [sflag:$0x2] =	stream.indirect.gather [hbm4b:s3+s11], $0x20, s14, s11, $0xb8;
	[tilespmem:$0xB600] =	vst v63  }
0x1b3: {  	_ =	swait.ge [sflag:s22], $0x2000  }
0x1b4: {  	[sflag:s22] =	ssyncset.done $0x0  }
0x1b5: {  	[sflag:s22] =	ssyncadd.s32 $0xFFFFE000  }
0x1b6: {  	s24 =	simm.s32 $0x0;
	s28 =	simm.s32 $0x1  }
0x1b7: {  	s25 =	simm.s32 $0x2;
	s26 =	simm.s32 $0x3;
	s29 =	simm.s32 $0x4;
	v1 =	vmov s24;
	v2 =	vmov s28  }
0x1b8: {  	s30 =	simm.s32 $0x5;
	s31 =	simm.s32 $0x6;
	v3 =	vmov s25;
	v4 =	vmov s26;
	v5 =	vmov s29  }
0x1b9: {  	v6 =	vmov s30;
	s25 =	simm.s32 $0x7;
	v7 =	vmov s31;
	s26 =	simm.s32 $0x8;
	s28 =	simm.s32 $0x9;
	v1 =	vshrl.u32 v1, $0x3  }
0x1ba: {  	s29 =	simm.s32 $0xA;
	s30 =	simm.s32 $0xB;
	s31 =	simm.s32 $0xC;
	v8 =	vmov s25;
	v9 =	vmov s26;
	v10 =	vmov s28  }
0x1bb: {  	v11 =	vmov s29;
	v12 =	vmov s30;
	v13 =	vmov s31  }
0x1bc: {  	v2 =	vshrl.u32 v2, $0x3;
	v3 =	vshrl.u32 v3, $0x3;
	v4 =	vshrl.u32 v4, $0x3  }
0x1bd: {  	s28 =	simm.s32 $0xD;
	s29 =	simm.s32 $0xE;
	v5 =	vshrl.u32 v5, $0x3;
	v6 =	vshrl.u32 v6, $0x3;
	v7 =	vshrl.u32 v7, $0x3  }
0x1be: {  	s30 =	simm.s32 $0xF;
	v14 =	vmov s28;
	v1 =	vshll.u32 v1, v33;
	v15 =	vmov s29  }
0x1bf: {  	v16 =	vmov s30;
	v8 =	vshrl.u32 v8, $0x3;
	v9 =	vshrl.u32 v9, $0x3  }
0x1c0: {  	_ =	swait.ge [sflag:s16], $0x2000;
	v16 =	vshrl.u32 v16, $0x3;
	v49 =	vbroadcast v1, $0x0;
	v1 =	vshll.u32 v2, v33  }
0x1c1: {  	[sflag:s16] =	ssyncset.done $0x0;
	v10 =	vshrl.u32 v10, $0x3;
	v16 =	vshll.u32 v16, v33;
	v1 =	vbroadcast v1, $0x0  }
0x1c2: {  	s24 =	simm.s32 $0x3700;
	[sflag:s16] =	ssyncadd.s32 $0xFFFFE000;
	v11 =	vshrl.u32 v11, $0x3;
	v4 =	vshll.u32 v4, v33;
	v16 =	vbroadcast v16, $0x0  }
0x1c3: {  	v20 =	vld [tilespmem:s24+$0xFFFFFF20];
	v5 =	vshll.u32 v5, v33;
	v6 =	vshll.u32 v6, v33;
	v21 =	vor.u32 v35, v1  }
0x1c4: {  	v2 =	vshll.u32 v3, v33;
	v3 =	vld [tilespmem:s24+$0xE0];
	v5 =	vbroadcast v5, $0x0;
	v17 =	vor.u32 v47, v16  }
0x1c5: {  	v18 =	vld [tilespmem:s24+$0xFFFFFF00];
	v7 =	vshll.u32 v7, v33;
	v4 =	vbroadcast v4, $0x0;
	v19 =	vor.u32 v30, v49  }
0x1c6: {  	v26 =	vld [tilespmem:s24+$0xFFFFFF80];
	v6 =	vbroadcast v6, $0x0;
	v2 =	vbroadcast v2, $0x0;
	v27 =	vor.u32 v41, v5  }
0x1c7: {  	v12 =	vshrl.u32 v12, $0x3;
	v24 =	vld [tilespmem:s24+$0xFFFFFF60];
	v7 =	vbroadcast v7, $0x0;
	v25 =	vor.u32 v39, v4  }
0x1c8: {  	v13 =	vshrl.u32 v13, $0x3;
	v22 =	vld [tilespmem:s24+$0xFFFFFF40];
	v55 =	vor.u32 v43, v6;
	v23 =	vor.u32 v37, v2;
	[tilespmem:v21+s17+$0x0] =	vst.idx.msk $0xffff, v20  }
0x1c9: {  	v14 =	vshrl.u32 v14, $0x3;
	v60 =	vor.u32 v45, v7;
	v29 =	vor.u32 v36, v1;
	[tilespmem:v17+s17+$0x0] =	vst.idx.msk $0xffff, v3;
	v17 =	vld [tilespmem:s24+$0xFFFFFFA0]  }
0x1ca: {  	s30 =	simm.s32 $0x14;
	v15 =	vshrl.u32 v15, $0x3;
	v16 =	vor.u32 v48, v16;
	[tilespmem:v19+s17+$0x0] =	vst.idx.msk $0xffff, v18;
	v3 =	vshll.u32 v8, v33;
	v28 =	vld [tilespmem:s24+$0xFFFFFF30]  }
0x1cb: {  	[tilespmem:v27+s17+$0x0] =	vst.idx.msk $0xffff, v26;
	v26 =	vmov s30;
	v8 =	vld [tilespmem:s24+$0xF0];
	v57 =	vbroadcast v3, $0x0;
	v3 =	vshll.u32 v9, v33  }
0x1cc: {  	[tilespmem:v25+s17+$0x0] =	vst.idx.msk $0xffff, v24;
	v19 =	vor.u32 v44, v6;
	v9 =	vld [tilespmem:s24+$0xFFFFFFC0];
	v21 =	vbroadcast v3, $0x0;
	v3 =	vshll.u32 v10, v33  }
0x1cd: {  	[tilespmem:v23+s17+$0x0] =	vst.idx.msk $0xffff, v22;
	v10 =	vld [tilespmem:s24+$0xFFFFFFE0];
	v61 =	vor.u32 v47, v57;
	v23 =	vbroadcast v3, $0x0;
	v3 =	vshll.u32 v11, v33  }
0x1ce: {  	v11 =	vld [tilespmem:s24+$0x0];
	v62 =	vor.u32 v30, v21;
	v25 =	vbroadcast v3, $0x0;
	v3 =	vshll.u32 v12, v33;
	[tilespmem:v55+s17+$0x0] =	vst.idx.msk $0xffff, v17  }
0x1cf: {  	v12 =	vld [tilespmem:s24+$0x20];
	v63 =	vor.u32 v35, v23;
	v50 =	vbroadcast v3, $0x0;
	v3 =	vshll.u32 v13, v33;
	[tilespmem:v29+s17+$0x0] =	vst.idx.msk $0xffff, v28  }
0x1d0: {  	[tilespmem:v16+s17+$0x0] =	vst.idx.msk $0xffff, v8;
	v8 =	vld [tilespmem:s24+$0x40];
	v13 =	vor.u32 v37, v25;
	v51 =	vbroadcast v3, $0x0;
	v3 =	vshll.u32 v14, v33  }
0x1d1: {  	s28 =	simm.s32 $0x12;
	[tilespmem:v60+s17+$0x0] =	vst.idx.msk $0xffff, v9;
	v9 =	vld [tilespmem:s24+$0x60];
	v14 =	vor.u32 v39, v50;
	v52 =	vbroadcast v3, $0x0;
	v3 =	vshll.u32 v15, v33  }
0x1d2: {  	s29 =	simm.s32 $0x13;
	s30 =	simm.s32 $0x18;
	v20 =	vmov s28;
	[tilespmem:v61+s17+$0x0] =	vst.idx.msk $0xffff, v10;
	v10 =	vld [tilespmem:s24+$0x80];
	v16 =	vor.u32 v41, v51;
	v53 =	vbroadcast v3, $0x0  }
0x1d3: {  	v22 =	vmov s29;
	s28 =	simm.s32 $0x16;
	s29 =	simm.s32 $0x17;
	v56 =	vmov s30;
	[tilespmem:v62+s17+$0x0] =	vst.idx.msk $0xffff, v11;
	v11 =	vld [tilespmem:s24+$0xA0];
	v18 =	vor.u32 v43, v52  }
0x1d4: {  	s30 =	simm.s32 $0x1D;
	v31 =	vmov s28;
	v32 =	vmov s29;
	[tilespmem:v63+s17+$0x0] =	vst.idx.msk $0xffff, v12;
	v12 =	vld [tilespmem:s24+$0xC0];
	v24 =	vor.u32 v45, v53  }
0x1d5: {  	s29 =	simm.s32 $0x1C;
	v54 =	vmov s30;
	v56 =	vshrl.u32 v56, $0x3;
	[tilespmem:v13+s17+$0x0] =	vst.idx.msk $0xffff, v8;
	v8 =	vld [tilespmem:s24+$0xFFFFFF50];
	v13 =	vor.u32 v38, v2  }
0x1d6: {  	s31 =	simm.s32 $0x10;
	s26 =	simm.s32 $0x11;
	v1 =	vmov s29;
	v58 =	vshrl.u32 v32, $0x3;
	[tilespmem:v14+s17+$0x0] =	vst.idx.msk $0xffff, v9;
	v9 =	vld [tilespmem:s24+$0xFFFFFF70];
	v14 =	vor.u32 v40, v4  }
0x1d7: {  	v17 =	vmov s26;
	v15 =	vmov s31;
	s31 =	simm.s32 $0x15;
	[tilespmem:v16+s17+$0x0] =	vst.idx.msk $0xffff, v10;
	v10 =	vld [tilespmem:s24+$0xFFFFFF90];
	v16 =	vor.u32 v42, v5  }
0x1d8: {  	v60 =	vshrl.u32 v26, $0x3;
	v15 =	vshrl.u32 v15, $0x3;
	v27 =	vmov s31;
	s31 =	simm.s32 $0x19;
	[tilespmem:v18+s17+$0x0] =	vst.idx.msk $0xffff, v11;
	v18 =	vld [tilespmem:s24+$0xFFFFFFB0]  }
0x1d9: {  	s28 =	simm.s32 $0x1B;
	v6 =	vld [tilespmem:s24+$0xFFFFFFD0];
	v61 =	vshrl.u32 v22, $0x3;
	v3 =	vmov s31;
	v11 =	vor.u32 v46, v7;
	[tilespmem:v24+s17+$0x0] =	vst.idx.msk $0xffff, v12  }
0x1da: {  	v62 =	vmov s28;
	s31 =	simm.s32 $0x1E;
	v59 =	vshrl.u32 v27, $0x3;
	v7 =	vld [tilespmem:s24+$0xFFFFFFF0];
	v12 =	vor.u32 v48, v57;
	[tilespmem:v13+s17+$0x0] =	vst.idx.msk $0xffff, v8  }
0x1db: {  	v63 =	vshll.u32 v15, v33;
	v55 =	vmov s31;
	v8 =	vld [tilespmem:s24+$0x10];
	v13 =	vor.u32 v34, v21;
	[tilespmem:v14+s17+$0x0] =	vst.idx.msk $0xffff, v9  }
0x1dc: {  	s26 =	simm.s32 $0x1A;
	v15 =	vor.u32 v38, v25;
	v2 =	vshrl.u32 v20, $0x3;
	v9 =	vld [tilespmem:s24+$0x30];
	v14 =	vor.u32 v36, v23;
	[tilespmem:v16+s17+$0x0] =	vst.idx.msk $0xffff, v10  }
0x1dd: {  	s25 =	simm.s32 $0x20;
	v4 =	vmov s26;
	s26 =	simm.s32 $0x1F;
	v5 =	vshrl.u32 v17, $0x3;
	v57 =	vshrl.u32 v31, $0x3;
	v10 =	vld [tilespmem:s24+$0x50];
	[tilespmem:v19+s17+$0x0] =	vst.idx.msk $0xffff, v18  }
.LBB2_8:
0x1de: {  	p0 =	slt.u32 s25, $0xF0;
	v3 =	vshrl.u32 v3, $0x3;
	v16 =	vmov s26;
	[tilespmem:v11+s17+$0x0] =	vst.idx.msk $0xffff, v6;
	v6 =	vld [tilespmem:s24+$0x70];
	v11 =	vor.u32 v40, v50  }
0x1df: {  	v4 =	vshrl.u32 v4, $0x3;
	v16 =	vshrl.u32 v16, $0x3;
	[tilespmem:v12+s17+$0x0] =	vst.idx.msk $0xffff, v7;
	v7 =	vld [tilespmem:s24+$0x90];
	v12 =	vor.u32 v42, v51  }
0x1e0: {  	v17 =	vshrl.u32 v62, $0x3;
	v16 =	vshll.u32 v16, v33;
	[tilespmem:v13+s17+$0x0] =	vst.idx.msk $0xffff, v8;
	v8 =	vld [tilespmem:s24+$0xB0];
	v13 =	vor.u32 v44, v52  }
0x1e1: {  	v1 =	vshrl.u32 v1, $0x3;
	v16 =	vbroadcast v16, $0x0;
	[tilespmem:v14+s17+$0x0] =	vst.idx.msk $0xffff, v9;
	v9 =	vld [tilespmem:s24+$0xD0];
	v14 =	vor.u32 v46, v53  }
0x1e2: {  	v5 =	vshll.u32 v5, v33;
	v19 =	vor.u32 v34, v49;
	v49 =	vbroadcast v63, $0x0;
	v18 =	vld [tilespmem:s24+$0xFFFFFF10];
	[tilespmem:v15+s17+$0x0] =	vst.idx.msk $0xffff, v10;
	s24 =	sadd.s32 $0x200, s24  }
0x1e3: {  	v2 =	vshll.u32 v2, v33;
	v5 =	vbroadcast v5, $0x0;
	v10 =	vld [tilespmem:s24+$0xE0];
	v15 =	vor.u32 v47, v16;
	[tilespmem:v11+s17+$0x0] =	vst.idx.msk $0xffff, v6  }
0x1e4: {  	v20 =	vshll.u32 v61, v33;
	v2 =	vbroadcast v2, $0x0;
	v11 =	vor.u32 v30, v49;
	v6 =	vld [tilespmem:s24+$0xFFFFFF00];
	[tilespmem:v12+s17+$0x0] =	vst.idx.msk $0xffff, v7  }
0x1e5: {  	v21 =	vshll.u32 v60, v33;
	v20 =	vbroadcast v20, $0x0;
	v12 =	vor.u32 v35, v5;
	v7 =	vld [tilespmem:s24+$0xFFFFFF20];
	[tilespmem:v13+s17+$0x0] =	vst.idx.msk $0xffff, v8  }
0x1e6: {  	v22 =	vshrl.u32 v54, $0x3;
	v21 =	vbroadcast v21, $0x0;
	v13 =	vor.u32 v37, v2;
	v8 =	vld [tilespmem:s24+$0xFFFFFF40];
	[tilespmem:v14+s17+$0x0] =	vst.idx.msk $0xffff, v9  }
0x1e7: {  	v23 =	vshll.u32 v59, v33;
	v24 =	vshrl.u32 v55, $0x3;
	v14 =	vor.u32 v39, v20;
	v9 =	vld [tilespmem:s24+$0xFFFFFF60];
	[tilespmem:v19+s17+$0x0] =	vst.idx.msk $0xffff, v18  }
0x1e8: {  	v25 =	vshll.u32 v57, v33;
	v23 =	vbroadcast v23, $0x0;
	v19 =	vor.u32 v41, v21;
	v18 =	vld [tilespmem:s24+$0xFFFFFF80];
	[tilespmem:v15+s17+$0x0] =	vst.idx.msk $0xffff, v10  }
0x1e9: {  	v10 =	vbroadcast v25, $0x0;
	v15 =	vor.u32 v48, v16;
	[tilespmem:v11+s17+$0x0] =	vst.idx.msk $0xffff, v6;
	v6 =	vshll.u32 v58, v33;
	v11 =	vld [tilespmem:s24+$0xF0]  }
0x1ea: {  	[tilespmem:v12+s17+$0x0] =	vst.idx.msk $0xffff, v7;
	v7 =	vld [tilespmem:s24+$0xFFFFFFA0];
	v12 =	vor.u32 v43, v23;
	v16 =	vbroadcast v6, $0x0;
	v6 =	vshll.u32 v56, v33  }
0x1eb: {  	v3 =	vshll.u32 v3, v33;
	[tilespmem:v13+s17+$0x0] =	vst.idx.msk $0xffff, v8;
	v8 =	vld [tilespmem:s24+$0xFFFFFFC0];
	v13 =	vor.u32 v45, v10;
	v25 =	vbroadcast v6, $0x0  }
0x1ec: {  	[tilespmem:v14+s17+$0x0] =	vst.idx.msk $0xffff, v9;
	v6 =	vld [tilespmem:s24+$0xFFFFFFE0];
	v9 =	vor.u32 v47, v16;
	v14 =	vbroadcast v3, $0x0;
	v3 =	vshll.u32 v4, v33  }
0x1ed: {  	[tilespmem:v19+s17+$0x0] =	vst.idx.msk $0xffff, v18;
	v4 =	vld [tilespmem:s24+$0x0];
	v18 =	vor.u32 v30, v25;
	v19 =	vbroadcast v3, $0x0;
	v3 =	vshll.u32 v17, v33  }
0x1ee: {  	v1 =	vshll.u32 v1, v33;
	v17 =	vld [tilespmem:s24+$0x20];
	v26 =	vor.u32 v35, v14;
	v50 =	vbroadcast v3, $0x0;
	[tilespmem:v15+s17+$0x0] =	vst.idx.msk $0xffff, v11  }
0x1ef: {  	v51 =	vbroadcast v1, $0x0;
	v1 =	vshll.u32 v22, v33;
	[tilespmem:v12+s17+$0x0] =	vst.idx.msk $0xffff, v7;
	v3 =	vld [tilespmem:s24+$0x40];
	v7 =	vor.u32 v37, v19  }
0x1f0: {  	v52 =	vbroadcast v1, $0x0;
	v1 =	vshll.u32 v24, v33;
	[tilespmem:v13+s17+$0x0] =	vst.idx.msk $0xffff, v8;
	v8 =	vld [tilespmem:s24+$0x60];
	v11 =	vor.u32 v39, v50  }
0x1f1: {  	s26 =	sadd.s32 $0x1, s25;
	v53 =	vbroadcast v1, $0x0;
	v12 =	vmov s25;
	[tilespmem:v9+s17+$0x0] =	vst.idx.msk $0xffff, v6;
	v6 =	vld [tilespmem:s24+$0x80];
	v9 =	vor.u32 v41, v51  }
0x1f2: {  	s28 =	sadd.s32 $0x3, s25;
	v15 =	vor.u32 v43, v52;
	v12 =	vshrl.u32 v12, $0x3;
	v13 =	vmov s26;
	s26 =	sadd.s32 $0x2, s25;
	[tilespmem:v18+s17+$0x0] =	vst.idx.msk $0xffff, v4;
	v1 =	vld [tilespmem:s24+$0xA0]  }
0x1f3: {  	v22 =	vmov s28;
	s28 =	sadd.s32 $0x5, s25;
	v24 =	vor.u32 v45, v53;
	v18 =	vmov s26;
	s26 =	sadd.s32 $0x4, s25;
	[tilespmem:v26+s17+$0x0] =	vst.idx.msk $0xffff, v17;
	v17 =	vld [tilespmem:s24+$0xC0]  }
0x1f4: {  	v27 =	vmov s28;
	s28 =	sadd.s32 $0x7, s25;
	v5 =	vor.u32 v36, v5;
	v26 =	vmov s26;
	s26 =	sadd.s32 $0x6, s25;
	v28 =	vld [tilespmem:s24+$0xFFFFFF30];
	[tilespmem:v7+s17+$0x0] =	vst.idx.msk $0xffff, v3  }
0x1f5: {  	v32 =	vor.u32 v38, v2;
	v31 =	vmov s28;
	s28 =	sadd.s32 $0x9, s25;
	v29 =	vmov s26;
	s26 =	sadd.s32 $0x8, s25;
	v7 =	vld [tilespmem:s24+$0xFFFFFF50];
	[tilespmem:v11+s17+$0x0] =	vst.idx.msk $0xffff, v8  }
0x1f6: {  	v20 =	vor.u32 v40, v20;
	v3 =	vmov s28;
	s28 =	sadd.s32 $0xB, s25;
	v56 =	vmov s26;
	s26 =	sadd.s32 $0xA, s25;
	v8 =	vld [tilespmem:s24+$0xFFFFFF70];
	[tilespmem:v9+s17+$0x0] =	vst.idx.msk $0xffff, v6  }
0x1f7: {  	v21 =	vor.u32 v42, v21;
	v62 =	vmov s28;
	s28 =	sadd.s32 $0xD, s25;
	v4 =	vmov s26;
	s26 =	sadd.s32 $0xC, s25;
	v9 =	vld [tilespmem:s24+$0xFFFFFF90];
	[tilespmem:v15+s17+$0x0] =	vst.idx.msk $0xffff, v1  }
0x1f8: {  	v23 =	vor.u32 v44, v23;
	v54 =	vmov s28;
	v1 =	vmov s26;
	s26 =	sadd.s32 $0xE, s25;
	v15 =	vld [tilespmem:s24+$0xFFFFFFB0];
	[tilespmem:v24+s17+$0x0] =	vst.idx.msk $0xffff, v17  }
.Ltmp3:
0x1f9: {  	v63 =	vshll.u32 v12, v33;
	v11 =	vor.u32 v46, v10;
	v55 =	vmov s26;
	[tilespmem:v5+s17+$0x0] =	vst.idx.msk $0xffff, v28;
	v6 =	vld [tilespmem:s24+$0xFFFFFFD0];
	(pc) =	sbr.rel @p0 .LBB2_8-.Ltmp3, $4  }
0x1fa: {  	v12 =	vor.u32 v48, v16;
	v2 =	vshrl.u32 v18, $0x3;
	v5 =	vshrl.u32 v13, $0x3;
	[tilespmem:v32+s17+$0x0] =	vst.idx.msk $0xffff, v7;
	v7 =	vld [tilespmem:s24+$0xFFFFFFF0]  }
0x1fb: {  	v61 =	vshrl.u32 v22, $0x3;
	v60 =	vshrl.u32 v26, $0x3;
	v13 =	vor.u32 v34, v25;
	[tilespmem:v20+s17+$0x0] =	vst.idx.msk $0xffff, v8;
	v8 =	vld [tilespmem:s24+$0x10]  }
0x1fc: {  	v59 =	vshrl.u32 v27, $0x3;
	v14 =	vor.u32 v36, v14;
	v57 =	vshrl.u32 v29, $0x3;
	[tilespmem:v21+s17+$0x0] =	vst.idx.msk $0xffff, v9;
	v9 =	vld [tilespmem:s24+$0x30]  }
0x1fd: {  	v58 =	vshrl.u32 v31, $0x3;
	v56 =	vshrl.u32 v56, $0x3;
	s26 =	sadd.s32 $0xF, s25;
	s25 =	sadd.s32 $0x10, s25;
	[tilespmem:v23+s17+$0x0] =	vst.idx.msk $0xffff, v15;
	v10 =	vld [tilespmem:s24+$0x50];
	v15 =	vor.u32 v38, v19  }
0x1fe: {  	_ =	sdelay $0x3  }
0x1ff: {  	[tilespmem:v11+s17+$0x0] =	vst.idx.msk $0xffff, v6;
	v6 =	vld [tilespmem:s24+$0x70];
	v11 =	vor.u32 v40, v50  }
0x200: {  	v16 =	vmov s26;
	v18 =	vld [tilespmem:s24+$0xFFFFFF10];
	v19 =	vor.u32 v34, v49;
	[tilespmem:v12+s17+$0x0] =	vst.idx.msk $0xffff, v7  }
0x201: {  	v21 =	vshll.u32 v60, v33;
	v16 =	vshrl.u32 v16, $0x3;
	v7 =	vld [tilespmem:s24+$0x90];
	v12 =	vor.u32 v42, v51;
	[tilespmem:v13+s17+$0x0] =	vst.idx.msk $0xffff, v8  }
0x202: {  	v21 =	vbroadcast v21, $0x0;
	v16 =	vshll.u32 v16, v33;
	v8 =	vld [tilespmem:s24+$0xB0];
	v13 =	vor.u32 v44, v52;
	[tilespmem:v14+s17+$0x0] =	vst.idx.msk $0xffff, v9  }
0x203: {  	v3 =	vshrl.u32 v3, $0x3;
	s31 =	sadd.s32 $0x200, s24;
	v16 =	vbroadcast v16, $0x0;
	v9 =	vld [tilespmem:s24+$0xD0];
	v14 =	vor.u32 v46, v53;
	[tilespmem:v15+s17+$0x0] =	vst.idx.msk $0xffff, v10  }
0x204: {  	v32 =	vbroadcast v63, $0x0;
	v5 =	vshll.u32 v5, v33;
	v49 =	vld [tilespmem:s31+$0xFFFFFF80];
	v51 =	vor.u32 v41, v21;
	[tilespmem:v11+s17+$0x0] =	vst.idx.msk $0xffff, v6  }
0x205: {  	v2 =	vshll.u32 v2, v33;
	v5 =	vbroadcast v5, $0x0;
	v10 =	vld [tilespmem:s31+$0xE0];
	v15 =	vor.u32 v47, v16;
	[tilespmem:v19+s17+$0x0] =	vst.idx.msk $0xffff, v18  }
0x206: {  	v20 =	vshll.u32 v61, v33;
	v2 =	vbroadcast v2, $0x0;
	v6 =	vld [tilespmem:s31+$0xFFFFFF00];
	v11 =	vor.u32 v30, v32;
	[tilespmem:v12+s17+$0x0] =	vst.idx.msk $0xffff, v7  }
0x207: {  	v20 =	vbroadcast v20, $0x0;
	v3 =	vshll.u32 v3, v33;
	v7 =	vld [tilespmem:s31+$0xFFFFFF20];
	v12 =	vor.u32 v35, v5;
	[tilespmem:v13+s17+$0x0] =	vst.idx.msk $0xffff, v8  }
0x208: {  	v4 =	vshrl.u32 v4, $0x3;
	v3 =	vbroadcast v3, $0x0;
	v8 =	vld [tilespmem:s31+$0xFFFFFF40];
	v13 =	vor.u32 v37, v2;
	[tilespmem:v14+s17+$0x0] =	vst.idx.msk $0xffff, v9  }
0x209: {  	v22 =	vshrl.u32 v54, $0x3;
	v23 =	vshll.u32 v59, v33;
	v9 =	vld [tilespmem:s31+$0xFFFFFF60];
	v14 =	vor.u32 v39, v20;
	[tilespmem:v51+s17+$0x0] =	vst.idx.msk $0xffff, v49  }
0x20a: {  	v25 =	vshll.u32 v57, v33;
	v23 =	vbroadcast v23, $0x0;
	v54 =	vld [tilespmem:s31+$0x20];
	v26 =	vor.u32 v35, v3;
	[tilespmem:v15+s17+$0x0] =	vst.idx.msk $0xffff, v10  }
0x20b: {  	[tilespmem:v11+s17+$0x0] =	vst.idx.msk $0xffff, v6;
	v6 =	vbroadcast v25, $0x0;
	v10 =	vshll.u32 v58, v33;
	v15 =	vor.u32 v48, v16;
	v11 =	vld [tilespmem:s31+$0xF0]  }
0x20c: {  	v17 =	vshrl.u32 v62, $0x3;
	[tilespmem:v12+s17+$0x0] =	vst.idx.msk $0xffff, v7;
	v7 =	vld [tilespmem:s31+$0xFFFFFFA0];
	v12 =	vor.u32 v43, v23;
	v10 =	vbroadcast v10, $0x0  }
0x20d: {  	v1 =	vshrl.u32 v1, $0x3;
	v16 =	vshll.u32 v56, v33;
	[tilespmem:v13+s17+$0x0] =	vst.idx.msk $0xffff, v8;
	v8 =	vld [tilespmem:s31+$0xFFFFFFC0];
	v13 =	vor.u32 v45, v6  }
0x20e: {  	v4 =	vshll.u32 v4, v33;
	v16 =	vbroadcast v16, $0x0;
	[tilespmem:v14+s17+$0x0] =	vst.idx.msk $0xffff, v9;
	v9 =	vld [tilespmem:s31+$0xFFFFFFE0];
	v14 =	vor.u32 v47, v10  }
0x20f: {  	v17 =	vshll.u32 v17, v33;
	v4 =	vbroadcast v4, $0x0;
	v5 =	vor.u32 v36, v5;
	[tilespmem:v26+s17+$0x0] =	vst.idx.msk $0xffff, v54;
	v59 =	vld [tilespmem:s31+$0xFFFFFF30]  }
0x210: {  	v1 =	vshll.u32 v1, v33;
	v52 =	vld [tilespmem:s31+$0x0];
	v17 =	vbroadcast v17, $0x0;
	v53 =	vor.u32 v30, v16;
	[tilespmem:v15+s17+$0x0] =	vst.idx.msk $0xffff, v11  }
0x211: {  	v1 =	vbroadcast v1, $0x0;
	[tilespmem:v12+s17+$0x0] =	vst.idx.msk $0xffff, v7;
	v7 =	vld [tilespmem:s31+$0x40];
	v11 =	vor.u32 v37, v4  }
0x212: {  	v12 =	vshll.u32 v22, v33;
	[tilespmem:v13+s17+$0x0] =	vst.idx.msk $0xffff, v8;
	v8 =	vld [tilespmem:s31+$0x60];
	v13 =	vor.u32 v39, v17  }
0x213: {  	v12 =	vbroadcast v12, $0x0;
	[tilespmem:v14+s17+$0x0] =	vst.idx.msk $0xffff, v9;
	v9 =	vld [tilespmem:s31+$0x80];
	v14 =	vor.u32 v41, v1  }
0x214: {  	v24 =	vshrl.u32 v55, $0x3;
	v6 =	vor.u32 v46, v6;
	[tilespmem:v5+s17+$0x0] =	vst.idx.msk $0xffff, v59;
	v5 =	vld [tilespmem:s31+$0xFFFFFFD0]  }
0x215: {  	v55 =	vld [tilespmem:s31+$0xA0];
	v15 =	vshll.u32 v24, v33;
	[tilespmem:v53+s17+$0x0] =	vst.idx.msk $0xffff, v52;
	v56 =	vor.u32 v43, v12  }
0x216: {  	v2 =	vor.u32 v38, v2;
	v15 =	vbroadcast v15, $0x0;
	[tilespmem:v11+s17+$0x0] =	vst.idx.msk $0xffff, v7;
	v7 =	vld [tilespmem:s31+$0xFFFFFF50]  }
0x217: {  	v11 =	vor.u32 v40, v20;
	[tilespmem:v13+s17+$0x0] =	vst.idx.msk $0xffff, v8;
	v8 =	vld [tilespmem:s31+$0xFFFFFF70]  }
0x218: {  	v57 =	vld [tilespmem:s31+$0xC0];
	v58 =	vor.u32 v45, v15;
	[tilespmem:v14+s17+$0x0] =	vst.idx.msk $0xffff, v9  }
0x219: {  	v13 =	vor.u32 v42, v21;
	v9 =	vld [tilespmem:s31+$0xFFFFFF90];
	[tilespmem:v6+s17+$0x0] =	vst.idx.msk $0xffff, v5  }
0x21a: {  	v60 =	vor.u32 v44, v23;
	v14 =	vld [tilespmem:s31+$0xFFFFFFB0];
	[tilespmem:v56+s17+$0x0] =	vst.idx.msk $0xffff, v55  }
0x21b: {  	[tilespmem:v2+s17+$0x0] =	vst.idx.msk $0xffff, v7;
	v2 =	vld [tilespmem:s31+$0xFFFFFFF0];
	v7 =	vor.u32 v48, v10  }
0x21c: {  	v10 =	vor.u32 v34, v16;
	[tilespmem:v11+s17+$0x0] =	vst.idx.msk $0xffff, v8;
	v8 =	vld [tilespmem:s31+$0x10]  }
0x21d: {  	v5 =	vld [tilespmem:s31+$0x70];
	v6 =	vor.u32 v40, v17;
	[tilespmem:v58+s17+$0x0] =	vst.idx.msk $0xffff, v57  }
0x21e: {  	v3 =	vor.u32 v36, v3;
	[tilespmem:v13+s17+$0x0] =	vst.idx.msk $0xffff, v9;
	v9 =	vld [tilespmem:s31+$0x30]  }
0x21f: {  	v4 =	vor.u32 v38, v4;
	v11 =	vld [tilespmem:s31+$0x50];
	[tilespmem:v60+s17+$0x0] =	vst.idx.msk $0xffff, v14  }
0x220: {  	v1 =	vor.u32 v42, v1;
	[tilespmem:v7+s17+$0x0] =	vst.idx.msk $0xffff, v2;
	v2 =	vld [tilespmem:s31+$0x90]  }
0x221: {  	v7 =	vld [tilespmem:s31+$0xB0];
	[tilespmem:v10+s17+$0x0] =	vst.idx.msk $0xffff, v8;
	v8 =	vor.u32 v44, v12  }
0x222: {  	s28 =	simm.s32 $0x3;
	[tilespmem:v6+s17+$0x0] =	vst.idx.msk $0xffff, v5;
	v10 =	vld [tilespmem:s31+$0xFFFFFF10];
	v12 =	vor.u32 v34, v32  }
0x223: {  	s29 =	simm.s32 $0x4;
	v5 =	vmov s28;
	[tilespmem:v3+s17+$0x0] =	vst.idx.msk $0xffff, v9;
	v3 =	vld [tilespmem:s31+$0xD0];
	v9 =	vor.u32 v46, v15  }
0x224: {  	v6 =	vmov s29;
	v5 =	vshrl.u32 v5, $0x3;
	[tilespmem:v4+s17+$0x0] =	vst.idx.msk $0xffff, v11  }
0x225: {  	s25 =	simm.s32 $0x0;
	v6 =	vshrl.u32 v6, $0x3;
	v5 =	vshll.u32 v5, v33;
	[tilespmem:v1+s17+$0x0] =	vst.idx.msk $0xffff, v2  }
0x226: {  	s28 =	simm.s32 $0x9;
	v6 =	vshll.u32 v6, v33;
	v5 =	vbroadcast v5, $0x0;
	v4 =	vmov s25;
	[tilespmem:v8+s17+$0x0] =	vst.idx.msk $0xffff, v7  }
0x227: {  	s30 =	simm.s32 $0x5;
	v6 =	vbroadcast v6, $0x0;
	v11 =	vmov s28;
	s28 =	simm.s32 $0xD;
	v4 =	vshrl.u32 v4, $0x3;
	[tilespmem:v12+s17+$0x0] =	vst.idx.msk $0xffff, v10  }
0x228: {  	v14 =	vmov s28;
	v11 =	vshrl.u32 v11, $0x3;
	v7 =	vmov s30;
	s30 =	simm.s32 $0xB;
	[tilespmem:v9+s17+$0x0] =	vst.idx.msk $0xffff, v3  }
0x229: {  	v53 =	vor.u32 v39, v5;
	v27 =	vor.u32 v41, v6;
	v58 =	vor.u32 v42, v6;
	[hbm4b:s7+s11] =	stream.strided.scatter [tilespmem:s17], [sflag:$0x3], $0x2000, s18, s11, $0x38;
	[tilespmem:$0xB600] =	vst v63  }
0x22a: {  	s25 =	simm.s32 $0x1;
	v4 =	vshll.u32 v4, v33;
	v14 =	vshrl.u32 v14, $0x3;
	v12 =	vmov s30;
	s30 =	simm.s32 $0xF;
	_ =	swait.ge [sflag:s19], $0x2000  }
0x22b: {  	s26 =	simm.s32 $0x2;
	s31 =	simm.s32 $0x6;
	v49 =	vbroadcast v4, $0x0;
	v1 =	vmov s25;
	v16 =	vmov s30;
	[sflag:s19] =	ssyncset.done $0x0  }
0x22c: {  	s29 =	simm.s32 $0xA;
	v2 =	vmov s26;
	v8 =	vmov s31;
	v16 =	vshrl.u32 v16, $0x3;
	[sflag:s19] =	ssyncadd.s32 $0xFFFFE000  }
0x22d: {  	v10 =	vmov s29;
	v1 =	vshrl.u32 v1, $0x3;
	v16 =	vshll.u32 v16, v33;
	_ =	swait.ge [sflag:s20], $0x2000  }
0x22e: {  	s25 =	simm.s32 $0x7;
	s26 =	simm.s32 $0x8;
	v2 =	vshrl.u32 v2, $0x3;
	v62 =	vor.u32 v30, v49;
	v16 =	vbroadcast v16, $0x0;
	[sflag:s20] =	ssyncset.done $0x0  }
0x22f: {  	s24 =	simm.s32 $0x5700;
	v3 =	vmov s25;
	v9 =	vmov s26;
	v1 =	vshll.u32 v1, v33;
	[sflag:s20] =	ssyncadd.s32 $0xFFFFE000  }
0x230: {  	s31 =	simm.s32 $0xC;
	s29 =	simm.s32 $0xE;
	v2 =	vshll.u32 v2, v33;
	v1 =	vbroadcast v1, $0x0;
	v17 =	vor.u32 v47, v16;
	v4 =	vld [tilespmem:s24+$0xE0]  }
0x231: {  	v13 =	vmov s31;
	v15 =	vmov s29;
	v2 =	vbroadcast v2, $0x0;
	v61 =	vld [tilespmem:s24+$0xFFFFFF00]  }
0x232: {  	v7 =	vshrl.u32 v7, $0x3;
	v8 =	vshrl.u32 v8, $0x3;
	v32 =	vor.u32 v35, v1;
	v63 =	vld [tilespmem:s24+$0xFFFFFF20]  }
0x233: {  	v10 =	vshrl.u32 v10, $0x3;
	v8 =	vshll.u32 v8, v33;
	v51 =	vor.u32 v37, v2;
	v50 =	vld [tilespmem:s24+$0xFFFFFF40]  }
0x234: {  	v3 =	vshrl.u32 v3, $0x3;
	v7 =	vshll.u32 v7, v33;
	v8 =	vbroadcast v8, $0x0;
	v52 =	vld [tilespmem:s24+$0xFFFFFF60]  }
0x235: {  	v9 =	vshrl.u32 v9, $0x3;
	v7 =	vbroadcast v7, $0x0;
	v3 =	vshll.u32 v3, v33;
	v54 =	vld [tilespmem:s24+$0xFFFFFF80];
	[tilespmem:v17+s21+$0x0] =	vst.idx.msk $0xffff, v4  }
0x236: {  	v57 =	vbroadcast v3, $0x0;
	v3 =	vshll.u32 v9, v33;
	v60 =	vor.u32 v45, v8;
	v9 =	vld [tilespmem:s24+$0xFFFFFFC0];
	[tilespmem:v62+s21+$0x0] =	vst.idx.msk $0xffff, v61  }
0x237: {  	v12 =	vshrl.u32 v12, $0x3;
	v13 =	vshrl.u32 v13, $0x3;
	v55 =	vor.u32 v43, v7;
	[tilespmem:v32+s21+$0x0] =	vst.idx.msk $0xffff, v63;
	v17 =	vld [tilespmem:s24+$0xFFFFFFA0]  }
0x238: {  	v21 =	vbroadcast v3, $0x0;
	v3 =	vshll.u32 v11, v33;
	v11 =	vld [tilespmem:s24+$0xFFFFFFE0];
	[tilespmem:v51+s21+$0x0] =	vst.idx.msk $0xffff, v50;
	v61 =	vor.u32 v47, v57  }
0x239: {  	v23 =	vbroadcast v3, $0x0;
	v3 =	vshll.u32 v10, v33;
	v16 =	vor.u32 v48, v16;
	[tilespmem:v53+s21+$0x0] =	vst.idx.msk $0xffff, v52;
	v4 =	vld [tilespmem:s24+$0xF0]  }
0x23a: {  	v25 =	vbroadcast v3, $0x0;
	v3 =	vshll.u32 v12, v33;
	v10 =	vld [tilespmem:s24+$0x0];
	[tilespmem:v27+s21+$0x0] =	vst.idx.msk $0xffff, v54;
	v62 =	vor.u32 v30, v21  }
0x23b: {  	v12 =	vld [tilespmem:s24+$0x20];
	v63 =	vor.u32 v35, v23;
	v50 =	vbroadcast v3, $0x0;
	v3 =	vshll.u32 v13, v33;
	[tilespmem:v60+s21+$0x0] =	vst.idx.msk $0xffff, v9  }
0x23c: {  	v29 =	vor.u32 v36, v1;
	v51 =	vbroadcast v3, $0x0;
	v3 =	vshll.u32 v14, v33;
	v28 =	vld [tilespmem:s24+$0xFFFFFF30];
	[tilespmem:v55+s21+$0x0] =	vst.idx.msk $0xffff, v17  }
0x23d: {  	s28 =	simm.s32 $0x12;
	v15 =	vshrl.u32 v15, $0x3;
	v9 =	vld [tilespmem:s24+$0x60];
	v14 =	vor.u32 v39, v50;
	v52 =	vbroadcast v3, $0x0;
	[tilespmem:v61+s21+$0x0] =	vst.idx.msk $0xffff, v11  }
0x23e: {  	v20 =	vmov s28;
	s28 =	simm.s32 $0x16;
	v13 =	vor.u32 v37, v25;
	v3 =	vshll.u32 v15, v33;
	[tilespmem:v16+s21+$0x0] =	vst.idx.msk $0xffff, v4;
	v4 =	vld [tilespmem:s24+$0x40]  }
0x23f: {  	v31 =	vmov s28;
	s29 =	simm.s32 $0x13;
	s30 =	simm.s32 $0x14;
	v53 =	vbroadcast v3, $0x0;
	v18 =	vor.u32 v43, v52;
	[tilespmem:v62+s21+$0x0] =	vst.idx.msk $0xffff, v10;
	v10 =	vld [tilespmem:s24+$0xA0]  }
0x240: {  	v22 =	vmov s29;
	v26 =	vmov s30;
	s30 =	simm.s32 $0x18;
	v11 =	vld [tilespmem:s24+$0x80];
	[tilespmem:v63+s21+$0x0] =	vst.idx.msk $0xffff, v12;
	v16 =	vor.u32 v41, v51  }
0x241: {  	s29 =	simm.s32 $0x17;
	v56 =	vor.u32 v38, v2;
	v19 =	vmov s30;
	v12 =	vld [tilespmem:s24+$0xC0];
	v24 =	vor.u32 v45, v53;
	[tilespmem:v29+s21+$0x0] =	vst.idx.msk $0xffff, v28  }
0x242: {  	s31 =	simm.s32 $0x10;
	s30 =	simm.s32 $0x1D;
	v2 =	vshrl.u32 v20, $0x3;
	v32 =	vmov s29;
	[tilespmem:v14+s21+$0x0] =	vst.idx.msk $0xffff, v9;
	v9 =	vld [tilespmem:s24+$0xFFFFFF70];
	v14 =	vor.u32 v40, v5  }
0x243: {  	s29 =	simm.s32 $0x1C;
	v54 =	vmov s30;
	v60 =	vshrl.u32 v26, $0x3;
	v15 =	vmov s31;
	s31 =	simm.s32 $0x15;
	[tilespmem:v13+s21+$0x0] =	vst.idx.msk $0xffff, v4;
	v13 =	vld [tilespmem:s24+$0xFFFFFF50]  }
0x244: {  	v1 =	vmov s29;
	v27 =	vmov s31;
	s31 =	simm.s32 $0x19;
	[tilespmem:v18+s21+$0x0] =	vst.idx.msk $0xffff, v10;
	v10 =	vld [tilespmem:s24+$0xFFFFFFB0];
	v18 =	vor.u32 v44, v7  }
0x245: {  	s28 =	simm.s32 $0x1B;
	s26 =	simm.s32 $0x11;
	v15 =	vshrl.u32 v15, $0x3;
	v3 =	vmov s31;
	v59 =	vshrl.u32 v27, $0x3;
	[tilespmem:v16+s21+$0x0] =	vst.idx.msk $0xffff, v11;
	v16 =	vld [tilespmem:s24+$0xFFFFFF90]  }
0x246: {  	v6 =	vld [tilespmem:s24+$0xFFFFFFD0];
	s31 =	simm.s32 $0x1E;
	v17 =	vmov s26;
	v62 =	vmov s28;
	[tilespmem:v24+s21+$0x0] =	vst.idx.msk $0xffff, v12;
	v11 =	vor.u32 v46, v8  }
0x247: {  	v63 =	vshll.u32 v15, v33;
	v55 =	vmov s31;
	v7 =	vld [tilespmem:s24+$0xFFFFFFF0];
	v12 =	vor.u32 v48, v57;
	[tilespmem:v14+s21+$0x0] =	vst.idx.msk $0xffff, v9  }
0x248: {  	v61 =	vshrl.u32 v22, $0x3;
	v15 =	vor.u32 v38, v25;
	v8 =	vld [tilespmem:s24+$0x10];
	[tilespmem:v56+s21+$0x0] =	vst.idx.msk $0xffff, v13;
	v13 =	vor.u32 v34, v21  }
0x249: {  	s26 =	simm.s32 $0x1A;
	v5 =	vshrl.u32 v17, $0x3;
	v57 =	vshrl.u32 v31, $0x3;
	v9 =	vld [tilespmem:s24+$0x30];
	v14 =	vor.u32 v36, v23;
	[tilespmem:v18+s21+$0x0] =	vst.idx.msk $0xffff, v10  }
0x24a: {  	s25 =	simm.s32 $0x20;
	v4 =	vmov s26;
	s26 =	simm.s32 $0x1F;
	v10 =	vld [tilespmem:s24+$0x50];
	[tilespmem:v58+s21+$0x0] =	vst.idx.msk $0xffff, v16;
	v58 =	vshrl.u32 v32, $0x3;
	v56 =	vshrl.u32 v19, $0x3  }
.LBB2_10:
0x24b: {  	p0 =	slt.u32 s25, $0xF0;
	v3 =	vshrl.u32 v3, $0x3;
	v16 =	vmov s26;
	[tilespmem:v11+s21+$0x0] =	vst.idx.msk $0xffff, v6;
	v6 =	vld [tilespmem:s24+$0x70];
	v11 =	vor.u32 v40, v50  }
0x24c: {  	v4 =	vshrl.u32 v4, $0x3;
	v16 =	vshrl.u32 v16, $0x3;
	[tilespmem:v12+s21+$0x0] =	vst.idx.msk $0xffff, v7;
	v7 =	vld [tilespmem:s24+$0x90];
	v12 =	vor.u32 v42, v51  }
0x24d: {  	v17 =	vshrl.u32 v62, $0x3;
	v16 =	vshll.u32 v16, v33;
	[tilespmem:v13+s21+$0x0] =	vst.idx.msk $0xffff, v8;
	v8 =	vld [tilespmem:s24+$0xB0];
	v13 =	vor.u32 v44, v52  }
0x24e: {  	v1 =	vshrl.u32 v1, $0x3;
	v16 =	vbroadcast v16, $0x0;
	[tilespmem:v14+s21+$0x0] =	vst.idx.msk $0xffff, v9;
	v9 =	vld [tilespmem:s24+$0xD0];
	v14 =	vor.u32 v46, v53  }
0x24f: {  	v5 =	vshll.u32 v5, v33;
	v19 =	vor.u32 v34, v49;
	v49 =	vbroadcast v63, $0x0;
	v18 =	vld [tilespmem:s24+$0xFFFFFF10];
	[tilespmem:v15+s21+$0x0] =	vst.idx.msk $0xffff, v10;
	s24 =	sadd.s32 $0x200, s24  }
0x250: {  	v2 =	vshll.u32 v2, v33;
	v5 =	vbroadcast v5, $0x0;
	v10 =	vld [tilespmem:s24+$0xE0];
	v15 =	vor.u32 v47, v16;
	[tilespmem:v11+s21+$0x0] =	vst.idx.msk $0xffff, v6  }
0x251: {  	v20 =	vshll.u32 v61, v33;
	v2 =	vbroadcast v2, $0x0;
	v11 =	vor.u32 v30, v49;
	v6 =	vld [tilespmem:s24+$0xFFFFFF00];
	[tilespmem:v12+s21+$0x0] =	vst.idx.msk $0xffff, v7  }
0x252: {  	v21 =	vshll.u32 v60, v33;
	v20 =	vbroadcast v20, $0x0;
	v12 =	vor.u32 v35, v5;
	v7 =	vld [tilespmem:s24+$0xFFFFFF20];
	[tilespmem:v13+s21+$0x0] =	vst.idx.msk $0xffff, v8  }
0x253: {  	v22 =	vshrl.u32 v54, $0x3;
	v21 =	vbroadcast v21, $0x0;
	v13 =	vor.u32 v37, v2;
	v8 =	vld [tilespmem:s24+$0xFFFFFF40];
	[tilespmem:v14+s21+$0x0] =	vst.idx.msk $0xffff, v9  }
0x254: {  	v23 =	vshll.u32 v59, v33;
	v24 =	vshrl.u32 v55, $0x3;
	v14 =	vor.u32 v39, v20;
	v9 =	vld [tilespmem:s24+$0xFFFFFF60];
	[tilespmem:v19+s21+$0x0] =	vst.idx.msk $0xffff, v18  }
0x255: {  	v25 =	vshll.u32 v57, v33;
	v23 =	vbroadcast v23, $0x0;
	v19 =	vor.u32 v41, v21;
	v18 =	vld [tilespmem:s24+$0xFFFFFF80];
	[tilespmem:v15+s21+$0x0] =	vst.idx.msk $0xffff, v10  }
0x256: {  	v10 =	vbroadcast v25, $0x0;
	v15 =	vor.u32 v48, v16;
	[tilespmem:v11+s21+$0x0] =	vst.idx.msk $0xffff, v6;
	v6 =	vshll.u32 v58, v33;
	v11 =	vld [tilespmem:s24+$0xF0]  }
0x257: {  	[tilespmem:v12+s21+$0x0] =	vst.idx.msk $0xffff, v7;
	v7 =	vld [tilespmem:s24+$0xFFFFFFA0];
	v12 =	vor.u32 v43, v23;
	v16 =	vbroadcast v6, $0x0;
	v6 =	vshll.u32 v56, v33  }
0x258: {  	v3 =	vshll.u32 v3, v33;
	[tilespmem:v13+s21+$0x0] =	vst.idx.msk $0xffff, v8;
	v8 =	vld [tilespmem:s24+$0xFFFFFFC0];
	v13 =	vor.u32 v45, v10;
	v25 =	vbroadcast v6, $0x0  }
0x259: {  	[tilespmem:v14+s21+$0x0] =	vst.idx.msk $0xffff, v9;
	v6 =	vld [tilespmem:s24+$0xFFFFFFE0];
	v9 =	vor.u32 v47, v16;
	v14 =	vbroadcast v3, $0x0;
	v3 =	vshll.u32 v4, v33  }
0x25a: {  	[tilespmem:v19+s21+$0x0] =	vst.idx.msk $0xffff, v18;
	v4 =	vld [tilespmem:s24+$0x0];
	v18 =	vor.u32 v30, v25;
	v19 =	vbroadcast v3, $0x0;
	v3 =	vshll.u32 v17, v33  }
0x25b: {  	v1 =	vshll.u32 v1, v33;
	v17 =	vld [tilespmem:s24+$0x20];
	v26 =	vor.u32 v35, v14;
	v50 =	vbroadcast v3, $0x0;
	[tilespmem:v15+s21+$0x0] =	vst.idx.msk $0xffff, v11  }
0x25c: {  	v51 =	vbroadcast v1, $0x0;
	v1 =	vshll.u32 v22, v33;
	[tilespmem:v12+s21+$0x0] =	vst.idx.msk $0xffff, v7;
	v3 =	vld [tilespmem:s24+$0x40];
	v7 =	vor.u32 v37, v19  }
0x25d: {  	v52 =	vbroadcast v1, $0x0;
	v1 =	vshll.u32 v24, v33;
	[tilespmem:v13+s21+$0x0] =	vst.idx.msk $0xffff, v8;
	v8 =	vld [tilespmem:s24+$0x60];
	v11 =	vor.u32 v39, v50  }
0x25e: {  	s26 =	sadd.s32 $0x1, s25;
	v53 =	vbroadcast v1, $0x0;
	v12 =	vmov s25;
	[tilespmem:v9+s21+$0x0] =	vst.idx.msk $0xffff, v6;
	v6 =	vld [tilespmem:s24+$0x80];
	v9 =	vor.u32 v41, v51  }
0x25f: {  	s28 =	sadd.s32 $0x3, s25;
	v15 =	vor.u32 v43, v52;
	v12 =	vshrl.u32 v12, $0x3;
	v13 =	vmov s26;
	s26 =	sadd.s32 $0x2, s25;
	[tilespmem:v18+s21+$0x0] =	vst.idx.msk $0xffff, v4;
	v1 =	vld [tilespmem:s24+$0xA0]  }
0x260: {  	v22 =	vmov s28;
	s28 =	sadd.s32 $0x5, s25;
	v24 =	vor.u32 v45, v53;
	v18 =	vmov s26;
	s26 =	sadd.s32 $0x4, s25;
	[tilespmem:v26+s21+$0x0] =	vst.idx.msk $0xffff, v17;
	v17 =	vld [tilespmem:s24+$0xC0]  }
0x261: {  	v27 =	vmov s28;
	s28 =	sadd.s32 $0x7, s25;
	v5 =	vor.u32 v36, v5;
	v26 =	vmov s26;
	s26 =	sadd.s32 $0x6, s25;
	v28 =	vld [tilespmem:s24+$0xFFFFFF30];
	[tilespmem:v7+s21+$0x0] =	vst.idx.msk $0xffff, v3  }
0x262: {  	v32 =	vor.u32 v38, v2;
	v31 =	vmov s28;
	s28 =	sadd.s32 $0x9, s25;
	v29 =	vmov s26;
	s26 =	sadd.s32 $0x8, s25;
	v7 =	vld [tilespmem:s24+$0xFFFFFF50];
	[tilespmem:v11+s21+$0x0] =	vst.idx.msk $0xffff, v8  }
0x263: {  	v20 =	vor.u32 v40, v20;
	v3 =	vmov s28;
	s28 =	sadd.s32 $0xB, s25;
	v56 =	vmov s26;
	s26 =	sadd.s32 $0xA, s25;
	v8 =	vld [tilespmem:s24+$0xFFFFFF70];
	[tilespmem:v9+s21+$0x0] =	vst.idx.msk $0xffff, v6  }
0x264: {  	v21 =	vor.u32 v42, v21;
	v62 =	vmov s28;
	s28 =	sadd.s32 $0xD, s25;
	v4 =	vmov s26;
	s26 =	sadd.s32 $0xC, s25;
	v9 =	vld [tilespmem:s24+$0xFFFFFF90];
	[tilespmem:v15+s21+$0x0] =	vst.idx.msk $0xffff, v1  }
0x265: {  	v23 =	vor.u32 v44, v23;
	v54 =	vmov s28;
	v1 =	vmov s26;
	s26 =	sadd.s32 $0xE, s25;
	v15 =	vld [tilespmem:s24+$0xFFFFFFB0];
	[tilespmem:v24+s21+$0x0] =	vst.idx.msk $0xffff, v17  }
.Ltmp4:
0x266: {  	v63 =	vshll.u32 v12, v33;
	v11 =	vor.u32 v46, v10;
	v55 =	vmov s26;
	[tilespmem:v5+s21+$0x0] =	vst.idx.msk $0xffff, v28;
	v6 =	vld [tilespmem:s24+$0xFFFFFFD0];
	(pc) =	sbr.rel @p0 .LBB2_10-.Ltmp4, $4  }
0x267: {  	v12 =	vor.u32 v48, v16;
	v2 =	vshrl.u32 v18, $0x3;
	v5 =	vshrl.u32 v13, $0x3;
	[tilespmem:v32+s21+$0x0] =	vst.idx.msk $0xffff, v7;
	v7 =	vld [tilespmem:s24+$0xFFFFFFF0]  }
0x268: {  	v61 =	vshrl.u32 v22, $0x3;
	v60 =	vshrl.u32 v26, $0x3;
	v13 =	vor.u32 v34, v25;
	[tilespmem:v20+s21+$0x0] =	vst.idx.msk $0xffff, v8;
	v8 =	vld [tilespmem:s24+$0x10]  }
0x269: {  	v59 =	vshrl.u32 v27, $0x3;
	v14 =	vor.u32 v36, v14;
	v57 =	vshrl.u32 v29, $0x3;
	[tilespmem:v21+s21+$0x0] =	vst.idx.msk $0xffff, v9;
	v9 =	vld [tilespmem:s24+$0x30]  }
0x26a: {  	v58 =	vshrl.u32 v31, $0x3;
	v56 =	vshrl.u32 v56, $0x3;
	s26 =	sadd.s32 $0xF, s25;
	s25 =	sadd.s32 $0x10, s25;
	[tilespmem:v23+s21+$0x0] =	vst.idx.msk $0xffff, v15;
	v10 =	vld [tilespmem:s24+$0x50];
	v15 =	vor.u32 v38, v19  }
0x26b: {  	_ =	sdelay $0x2  }
0x26c: {  	v3 =	vshrl.u32 v3, $0x3  }
0x26d: {  	v16 =	vmov s26;
	[tilespmem:v11+s21+$0x0] =	vst.idx.msk $0xffff, v6;
	v22 =	vld [tilespmem:s24+$0x70];
	v23 =	vor.u32 v40, v50;
	v24 =	vor.u32 v42, v51  }
0x26e: {  	v4 =	vshrl.u32 v4, $0x3;
	v25 =	vld [tilespmem:s24+$0xB0];
	v26 =	vor.u32 v44, v52;
	v32 =	vor.u32 v46, v53;
	[tilespmem:v12+s21+$0x0] =	vst.idx.msk $0xffff, v7  }
0x26f: {  	v17 =	vshrl.u32 v62, $0x3;
	v27 =	vld [tilespmem:s24+$0xD0];
	v5 =	vshll.u32 v5, v33;
	v19 =	vor.u32 v34, v49;
	[tilespmem:v13+s21+$0x0] =	vst.idx.msk $0xffff, v8  }
0x270: {  	v50 =	vbroadcast v63, $0x0;
	v18 =	vld [tilespmem:s24+$0xFFFFFF10];
	v2 =	vshll.u32 v2, v33;
	v20 =	vshll.u32 v61, v33;
	[tilespmem:v14+s21+$0x0] =	vst.idx.msk $0xffff, v9  }
0x271: {  	s31 =	sadd.s32 $0x200, s24;
	v21 =	vshll.u32 v60, v33;
	v16 =	vshrl.u32 v16, $0x3;
	v7 =	vld [tilespmem:s24+$0x90];
	v2 =	vbroadcast v2, $0x0;
	[tilespmem:v15+s21+$0x0] =	vst.idx.msk $0xffff, v10  }
0x272: {  	v51 =	vld [tilespmem:s31+$0xFFFFFF00];
	v20 =	vbroadcast v20, $0x0;
	v16 =	vshll.u32 v16, v33;
	v52 =	vor.u32 v30, v50;
	[tilespmem:v23+s21+$0x0] =	vst.idx.msk $0xffff, v22  }
0x273: {  	v3 =	vshll.u32 v3, v33;
	v8 =	vld [tilespmem:s31+$0xFFFFFF40];
	v16 =	vbroadcast v16, $0x0;
	v60 =	vor.u32 v37, v2;
	[tilespmem:v26+s21+$0x0] =	vst.idx.msk $0xffff, v25  }
0x274: {  	v21 =	vbroadcast v21, $0x0;
	v61 =	vld [tilespmem:s31+$0xFFFFFF60];
	v4 =	vshll.u32 v4, v33;
	v62 =	vor.u32 v39, v20;
	[tilespmem:v32+s21+$0x0] =	vst.idx.msk $0xffff, v27  }
0x275: {  	v5 =	vbroadcast v5, $0x0;
	v10 =	vld [tilespmem:s31+$0xE0];
	v49 =	vor.u32 v47, v16;
	[tilespmem:v19+s21+$0x0] =	vst.idx.msk $0xffff, v18;
	v25 =	vshll.u32 v57, v33  }
0x276: {  	v63 =	vld [tilespmem:s31+$0xFFFFFF80];
	v3 =	vbroadcast v3, $0x0;
	v32 =	vor.u32 v41, v21;
	[tilespmem:v24+s21+$0x0] =	vst.idx.msk $0xffff, v7;
	v6 =	vbroadcast v25, $0x0  }
0x277: {  	v53 =	vor.u32 v35, v5;
	v7 =	vld [tilespmem:s31+$0xFFFFFF20];
	v24 =	vshrl.u32 v55, $0x3;
	v55 =	vshll.u32 v56, v33;
	[tilespmem:v52+s21+$0x0] =	vst.idx.msk $0xffff, v51  }
0x278: {  	v56 =	vld [tilespmem:s31+$0xFFFFFFC0];
	v52 =	vor.u32 v48, v16;
	v16 =	vbroadcast v55, $0x0;
	[tilespmem:v60+s21+$0x0] =	vst.idx.msk $0xffff, v8;
	v57 =	vor.u32 v45, v6  }
0x279: {  	v4 =	vbroadcast v4, $0x0;
	v26 =	vor.u32 v35, v3;
	[tilespmem:v62+s21+$0x0] =	vst.idx.msk $0xffff, v61;
	v62 =	vld [tilespmem:s31+$0x20]  }
0x27a: {  	v23 =	vshll.u32 v59, v33;
	v60 =	vld [tilespmem:s31+$0x0];
	v61 =	vor.u32 v30, v16;
	[tilespmem:v49+s21+$0x0] =	vst.idx.msk $0xffff, v10  }
0x27b: {  	v23 =	vbroadcast v23, $0x0;
	v49 =	vshll.u32 v58, v33;
	[tilespmem:v32+s21+$0x0] =	vst.idx.msk $0xffff, v63;
	v63 =	vld [tilespmem:s31+$0x40];
	v32 =	vor.u32 v37, v4  }
0x27c: {  	v22 =	vshrl.u32 v54, $0x3;
	v51 =	vld [tilespmem:s31+$0xF0];
	[tilespmem:v53+s21+$0x0] =	vst.idx.msk $0xffff, v7;
	v10 =	vbroadcast v49, $0x0  }
0x27d: {  	v54 =	vor.u32 v43, v23;
	v53 =	vld [tilespmem:s31+$0xFFFFFFA0];
	v49 =	vshll.u32 v22, v33;
	[tilespmem:v57+s21+$0x0] =	vst.idx.msk $0xffff, v56  }
0x27e: {  	v58 =	vld [tilespmem:s31+$0xFFFFFFE0];
	v12 =	vbroadcast v49, $0x0;
	v59 =	vor.u32 v47, v10;
	[tilespmem:v26+s21+$0x0] =	vst.idx.msk $0xffff, v62  }
0x27f: {  	v27 =	vor.u32 v42, v21;
	v26 =	vld [tilespmem:s31+$0xFFFFFF90];
	[tilespmem:v61+s21+$0x0] =	vst.idx.msk $0xffff, v60  }
0x280: {  	v56 =	vld [tilespmem:s31+$0xA0];
	v57 =	vor.u32 v43, v12;
	[tilespmem:v32+s21+$0x0] =	vst.idx.msk $0xffff, v63  }
0x281: {  	v1 =	vshrl.u32 v1, $0x3;
	v17 =	vshll.u32 v17, v33;
	v5 =	vor.u32 v36, v5;
	v60 =	vld [tilespmem:s31+$0xFFFFFF30];
	[tilespmem:v52+s21+$0x0] =	vst.idx.msk $0xffff, v51  }
0x282: {  	v1 =	vshll.u32 v1, v33;
	v17 =	vbroadcast v17, $0x0;
	v2 =	vor.u32 v38, v2;
	v61 =	vld [tilespmem:s31+$0xFFFFFF50];
	[tilespmem:v54+s21+$0x0] =	vst.idx.msk $0xffff, v53  }
0x283: {  	v1 =	vbroadcast v1, $0x0;
	v62 =	vld [tilespmem:s31+$0xFFFFFF70];
	v63 =	vor.u32 v40, v20;
	[tilespmem:v59+s21+$0x0] =	vst.idx.msk $0xffff, v58  }
0x284: {  	v51 =	vld [tilespmem:s31+$0x60];
	v52 =	vor.u32 v39, v17;
	v53 =	vshll.u32 v24, v33;
	[tilespmem:v27+s21+$0x0] =	vst.idx.msk $0xffff, v26  }
0x285: {  	v55 =	vor.u32 v41, v1;
	v54 =	vld [tilespmem:s31+$0x80];
	v15 =	vbroadcast v53, $0x0;
	[tilespmem:v57+s21+$0x0] =	vst.idx.msk $0xffff, v56  }
0x286: {  	v49 =	vor.u32 v44, v23;
	v32 =	vld [tilespmem:s31+$0xFFFFFFB0];
	[tilespmem:v5+s21+$0x0] =	vst.idx.msk $0xffff, v60  }
0x287: {  	v58 =	vld [tilespmem:s31+$0xC0];
	v59 =	vor.u32 v45, v15;
	[tilespmem:v2+s21+$0x0] =	vst.idx.msk $0xffff, v61  }
0x288: {  	v4 =	vor.u32 v38, v4;
	v56 =	vld [tilespmem:s31+$0x50];
	[tilespmem:v63+s21+$0x0] =	vst.idx.msk $0xffff, v62  }
0x289: {  	v62 =	vld [tilespmem:s31+$0xFFFFFF10];
	v63 =	vor.u32 v34, v50;
	[tilespmem:v52+s21+$0x0] =	vst.idx.msk $0xffff, v51  }
0x28a: {  	v6 =	vor.u32 v46, v6;
	[tilespmem:v55+s21+$0x0] =	vst.idx.msk $0xffff, v54;
	v51 =	vld [tilespmem:s31+$0xFFFFFFD0]  }
0x28b: {  	v2 =	vld [tilespmem:s31+$0xFFFFFFF0];
	v52 =	vor.u32 v48, v10;
	[tilespmem:v49+s21+$0x0] =	vst.idx.msk $0xffff, v32  }
0x28c: {  	v3 =	vor.u32 v36, v3;
	v55 =	vld [tilespmem:s31+$0x30];
	[tilespmem:v59+s21+$0x0] =	vst.idx.msk $0xffff, v58  }
0x28d: {  	v53 =	vld [tilespmem:s31+$0x10];
	v54 =	vor.u32 v34, v16;
	[tilespmem:v4+s21+$0x0] =	vst.idx.msk $0xffff, v56  }
0x28e: {  	v57 =	vld [tilespmem:s31+$0x70];
	v58 =	vor.u32 v40, v17;
	[tilespmem:v63+s21+$0x0] =	vst.idx.msk $0xffff, v62  }
0x28f: {  	v60 =	vor.u32 v44, v12;
	v59 =	vld [tilespmem:s31+$0xB0];
	[tilespmem:v6+s21+$0x0] =	vst.idx.msk $0xffff, v51  }
0x290: {  	v1 =	vor.u32 v42, v1;
	[tilespmem:v52+s21+$0x0] =	vst.idx.msk $0xffff, v2;
	v2 =	vld [tilespmem:s31+$0x90]  }
0x291: {  	v61 =	vor.u32 v46, v15;
	[tilespmem:v3+s21+$0x0] =	vst.idx.msk $0xffff, v55;
	v3 =	vld [tilespmem:s31+$0xD0]  }
0x292: {  	[tilespmem:v54+s21+$0x0] =	vst.idx.msk $0xffff, v53  }
0x293: {  	[tilespmem:v58+s21+$0x0] =	vst.idx.msk $0xffff, v57  }
0x294: {  	s23 =	sadd.s32 $0x1, s23;
	[tilespmem:v60+s21+$0x0] =	vst.idx.msk $0xffff, v59  }
0x295: {  	p0 =	sne.s32 s23, s9;
	[tilespmem:v1+s21+$0x0] =	vst.idx.msk $0xffff, v2  }
.Ltmp5:
0x296: {  	[tilespmem:v61+s21+$0x0] =	vst.idx.msk $0xffff, v3;
	(pc) =	sbr.rel @p0 .LBB2_1-.Ltmp5, $4  }
0x297: {  	[hbm4b:s8+s11] =	stream.strided.scatter [tilespmem:s21], [sflag:$0x4], $0x2000, s18, s11, $0x38;
	[tilespmem:$0xB600] =	vst v63  }
0x298: {  	_ =	swait.ge [sflag:s22], $0x2000  }
0x299: {  	[sflag:s22] =	ssyncset.done $0x0  }
0x29a: {  	[sflag:s22] =	ssyncadd.s32 $0xFFFFE000  }
0x29b: {  	_ =	sfence.sel $0x180000  }
0x29c: {  	[bflag:$0x0] =	sbarrier.arrive $0xFFFF  }
0x29d: {  	p0 =	sne.s32 s2, $0x0;
	_ =	strace $0x90000047  }
0x29e: {  	s0 =	sadd.s32 @!p0 $0x100000, s0;
	[bflag:$0x2] =	sbarrier.arrive $0xFFFF  }
0x29f: {  	[sflag:s0] =	ssyncadd.tile.s32 @!p0 $0x1;
	_ =	shalt  }
.Lfunc_end2:
_tile_overlayer_lowered:
.L_overlay_start_2:
0x2a0: {  	(tag) =	ssettag $0x2  }
0x2a1: {  	s0 =	rddreg [dreg:$0x0];
	s2 =	stileid.u32  }
0x2a2: {  	s1 =	rddreg [dreg:$0x1];
	p0 =	sne.s32 s2, $0x0  }
0x2a3: {  	s3 =	rddreg [dreg:$0x2];
	[bflag:$0x3] =	sbarrier.arrive $0xFFFF;
	s2 =	simm.s32 @!p0 $0x1C05  }
0x2a4: {  	[timem:s3], [sflag:s2] =	dma.local @!p0 [hbm:s0], s1  }
0x2a5: {  	s0 =	simm.s32 @!p0 $0x5  }
0x2a6: {  	_ =	swait.ge @!p0 [sflag:s0], s1  }
0x2a7: {  	s1 =	ssub.s32 @!p0 $0x0, s1;
	[sflag:s0] =	ssyncset.done @!p0 $0x0  }
0x2a8: {  	[sflag:s0] =	ssyncadd.s32 @!p0 s1  }
0x2a9: {  	[bflag:$0x3] =	sbarrier.arrive $0xFFFF  }
0x2aa: {  	_ =	shalt  }

</sc_bundles>
